<compile_context>
chip_gen: v7x
topology: tpu7x:2x2x1
jax: 0.10.2.dev20260603
libtpu: 0.0.44.dev20260713+nightly
codegen_flags: <defaults>
</compile_context>

<pallas_src>
import jax
import jax.numpy as jnp
from jax import lax
from jax.experimental import pallas as pl
from jax.experimental.pallas import tpu as pltpu
from jax.experimental.pallas import tpu_sc as plsc

_NC = 2
_NS = 16
_NW = _NC * _NS
_LANES = 16
_ROWS = 4
_NBUF = 8


def _sc_add_body(x_hbm, e_hbm, o_hbm, *rest):
    xb = rest[0:_NBUF]
    eb = rest[_NBUF:2 * _NBUF]
    ob = rest[2 * _NBUF:3 * _NBUF]
    sem_in = rest[3 * _NBUF:4 * _NBUF]
    sem_out = rest[4 * _NBUF:5 * _NBUF]

    wid = lax.axis_index("s") * _NC + lax.axis_index("c")
    rows_total = x_hbm.shape[0]
    dim = x_hbm.shape[1]
    rows_per_w = rows_total // _NW
    n_chunks = rows_per_w // _ROWS
    base = wid * rows_per_w
    vecs_per_row = dim // _LANES
    vecs_per_chunk = _ROWS * vecs_per_row
    row_shift = 6

    def fire_in(b, ci):
        r0 = base + ci * _ROWS
        pltpu.async_copy(x_hbm.at[pl.ds(r0, _ROWS)], xb[b], sem_in[b])
        pltpu.async_copy(e_hbm.at[pl.ds(r0, _ROWS)], eb[b], sem_in[b])

    def wait_in(b, ci):
        r0 = base + ci * _ROWS
        pltpu.make_async_copy(x_hbm.at[pl.ds(r0, _ROWS)], xb[b], sem_in[b]).wait()
        pltpu.make_async_copy(e_hbm.at[pl.ds(r0, _ROWS)], eb[b], sem_in[b]).wait()

    def fire_out(b, ci):
        r0 = base + ci * _ROWS
        pltpu.async_copy(ob[b], o_hbm.at[pl.ds(r0, _ROWS)], sem_out[b])

    def wait_out(b, ci):
        r0 = base + ci * _ROWS
        pltpu.make_async_copy(ob[b], o_hbm.at[pl.ds(r0, _ROWS)], sem_out[b]).wait()

    for b in range(_NBUF):
        fire_in(b, b)

    def outer(g, carry):
        for b in range(_NBUF):
            ci = g * _NBUF + b
            wait_in(b, ci)

            @pl.when(g > 0)
            def _():
                wait_out(b, ci - _NBUF)

            @plsc.parallel_loop(0, vecs_per_chunk, 1, unroll=8)
            def _(i):
                r = lax.shift_right_logical(i, row_shift)
                c = pl.multiple_of(
                    lax.shift_left(lax.bitwise_and(i, vecs_per_row - 1), 4),
                    _LANES,
                )
                ob[b][r, pl.ds(c, _LANES)] = (
                    xb[b][r, pl.ds(c, _LANES)] + eb[b][r, pl.ds(c, _LANES)]
                )

            fire_out(b, ci)

            @pl.when(ci + _NBUF < n_chunks)
            def _():
                fire_in(b, ci + _NBUF)

        return carry

    lax.fori_loop(0, n_chunks // _NBUF, outer, 0)

    for b in range(_NBUF):
        wait_out(b, n_chunks - _NBUF + b)


def kernel(x, emb_weight):
    seq_len, dim = x.shape
    mesh = plsc.VectorSubcoreMesh(core_axis_name="c", subcore_axis_name="s")
    sc_call = pl.kernel(
        _sc_add_body,
        out_type=jax.ShapeDtypeStruct((seq_len, dim), jnp.float32),
        mesh=mesh,
        compiler_params=pltpu.CompilerParams(use_tc_tiling_on_sc=True),
        scratch_types=(
            [pltpu.VMEM((_ROWS, 1024), jnp.float32)] * (3 * _NBUF)
            + [pltpu.SemaphoreType.DMA] * (2 * _NBUF)
        ),
    )
    return sc_call(x, emb_weight[:seq_len])

# --- scband reference (transcript-rebuilt; emitter-appended) ---
"""Pipeline reference for scband-positional-embedding-24704651886856 (READ-ONLY COPY).

The authoritative reference and input builder live on the scoring server;
editing this copy changes nothing except your own understanding.
"""

import jax, jax.numpy as jnp
import numpy as np

DIM = 1024
MAX_LEN = 8192
SEQ_LEN = 8192

def setup_inputs(seed: int = 0) -> dict:
    key = jax.random.key(seed)
    k1, k2 = jax.random.split(key)
    x = jax.random.normal(k1, (SEQ_LEN, DIM), dtype=jnp.float32)
    # nn.Embedding default init: N(0, 1)
    emb_weight = jax.random.normal(k2, (MAX_LEN, DIM), dtype=jnp.float32)
    return {"x": x, "emb_weight": emb_weight}

def reference(x, emb_weight):
    seq_length = x.shape[0]
    position_ids = jnp.arange(seq_length)
    position_embeddings = jnp.take(emb_weight, position_ids, axis=0)
    out = x + position_embeddings
    return out

if __name__ == "__main__":
    import jax
    _d = setup_inputs()
    print(jax.jit(kernel)(*tuple(_d.values())))

</pallas_src>

<mosaic_0001>
#map = affine_map<(d0, d1) -> (0, 0)>
module attributes {stable_mosaic.version = 14 : i64} {
  func.func @_sc_add_body(%arg0: i32, %arg1: i32, %arg2: memref<8192x1024xf32, #tpu.memory_space<hbm>>, %arg3: memref<8192x1024xf32, #tpu.memory_space<hbm>>, %arg4: memref<8192x1024xf32, #tpu.memory_space<hbm>>, %arg5: memref<4x1024xf32, #tpu.memory_space<vmem>>, %arg6: memref<4x1024xf32, #tpu.memory_space<vmem>>, %arg7: memref<4x1024xf32, #tpu.memory_space<vmem>>, %arg8: memref<4x1024xf32, #tpu.memory_space<vmem>>, %arg9: memref<4x1024xf32, #tpu.memory_space<vmem>>, %arg10: memref<4x1024xf32, #tpu.memory_space<vmem>>, %arg11: memref<4x1024xf32, #tpu.memory_space<vmem>>, %arg12: memref<4x1024xf32, #tpu.memory_space<vmem>>, %arg13: memref<4x1024xf32, #tpu.memory_space<vmem>>, %arg14: memref<4x1024xf32, #tpu.memory_space<vmem>>, %arg15: memref<4x1024xf32, #tpu.memory_space<vmem>>, %arg16: memref<4x1024xf32, #tpu.memory_space<vmem>>, %arg17: memref<4x1024xf32, #tpu.memory_space<vmem>>, %arg18: memref<4x1024xf32, #tpu.memory_space<vmem>>, %arg19: memref<4x1024xf32, #tpu.memory_space<vmem>>, %arg20: memref<4x1024xf32, #tpu.memory_space<vmem>>, %arg21: memref<4x1024xf32, #tpu.memory_space<vmem>>, %arg22: memref<4x1024xf32, #tpu.memory_space<vmem>>, %arg23: memref<4x1024xf32, #tpu.memory_space<vmem>>, %arg24: memref<4x1024xf32, #tpu.memory_space<vmem>>, %arg25: memref<4x1024xf32, #tpu.memory_space<vmem>>, %arg26: memref<4x1024xf32, #tpu.memory_space<vmem>>, %arg27: memref<4x1024xf32, #tpu.memory_space<vmem>>, %arg28: memref<4x1024xf32, #tpu.memory_space<vmem>>, %arg29: memref<!tpu.dma_semaphore, #tpu.memory_space<semaphore_mem>>, %arg30: memref<!tpu.dma_semaphore, #tpu.memory_space<semaphore_mem>>, %arg31: memref<!tpu.dma_semaphore, #tpu.memory_space<semaphore_mem>>, %arg32: memref<!tpu.dma_semaphore, #tpu.memory_space<semaphore_mem>>, %arg33: memref<!tpu.dma_semaphore, #tpu.memory_space<semaphore_mem>>, %arg34: memref<!tpu.dma_semaphore, #tpu.memory_space<semaphore_mem>>, %arg35: memref<!tpu.dma_semaphore, #tpu.memory_space<semaphore_mem>>, %arg36: memref<!tpu.dma_semaphore, #tpu.memory_space<semaphore_mem>>, %arg37: memref<!tpu.dma_semaphore, #tpu.memory_space<semaphore_mem>>, %arg38: memref<!tpu.dma_semaphore, #tpu.memory_space<semaphore_mem>>, %arg39: memref<!tpu.dma_semaphore, #tpu.memory_space<semaphore_mem>>, %arg40: memref<!tpu.dma_semaphore, #tpu.memory_space<semaphore_mem>>, %arg41: memref<!tpu.dma_semaphore, #tpu.memory_space<semaphore_mem>>, %arg42: memref<!tpu.dma_semaphore, #tpu.memory_space<semaphore_mem>>, %arg43: memref<!tpu.dma_semaphore, #tpu.memory_space<semaphore_mem>>, %arg44: memref<!tpu.dma_semaphore, #tpu.memory_space<semaphore_mem>>) attributes {dimension_semantics = [#tpu.dimension_semantics<core_parallel>, #tpu.dimension_semantics<subcore_parallel>], iteration_bounds = array<i64: 2, 16>, scalar_prefetch = 0 : i64, scratch_operands = 40 : i64, tpu.core_type = #tpu.core_type<sc_vector_subcore>, window_params = [{transform_indices = #map}, {transform_indices = #map}, {transform_indices = #map}]} {
    %mul3A = arith.constant 2 : i32
    %mul3A_0 = arith.muli %arg1, %mul3A : i32
    %add3A = arith.addi %mul3A_0, %arg0 : i32
    %mul3A_1 = arith.constant 256 : i32
    %mul3A_2 = arith.muli %add3A, %mul3A_1 : i32
    %add3A_3 = arith.constant 0 : i32
    %add3A_4 = arith.addi %mul3A_2, %add3A_3 : i32
    %dma_start3A = arith.constant 0 : i32
    %dma_start3A_5 = tpu.memref_slice %arg2[%add3A_4, %dma_start3A] : memref<8192x1024xf32, #tpu.memory_space<hbm>> -> memref<4x1024xf32, #tpu.memory_space<hbm>>
    %dma_start3A_6 = arith.constant 0 : i32
    %dma_start3A_7 = tpu.memref_slice %arg2[%add3A_4, %dma_start3A_6] : memref<8192x1024xf32, #tpu.memory_space<hbm>> -> memref<4x1024xf32, #tpu.memory_space<hbm>>
    tpu.enqueue_dma source(%dma_start3A_7 : memref<4x1024xf32, #tpu.memory_space<hbm>>) target(%arg5 : memref<4x1024xf32, #tpu.memory_space<vmem>>) target_semaphore(%arg29 : memref<!tpu.dma_semaphore, #tpu.memory_space<semaphore_mem>>)
    %dma_start3A_8 = arith.constant 0 : i32
    %dma_start3A_9 = tpu.memref_slice %arg3[%add3A_4, %dma_start3A_8] : memref<8192x1024xf32, #tpu.memory_space<hbm>> -> memref<4x1024xf32, #tpu.memory_space<hbm>>
    %dma_start3A_10 = arith.constant 0 : i32
    %dma_start3A_11 = tpu.memref_slice %arg3[%add3A_4, %dma_start3A_10] : memref<8192x1024xf32, #tpu.memory_space<hbm>> -> memref<4x1024xf32, #tpu.memory_space<hbm>>
    tpu.enqueue_dma source(%dma_start3A_11 : memref<4x1024xf32, #tpu.memory_space<hbm>>) target(%arg13 : memref<4x1024xf32, #tpu.memory_space<vmem>>) target_semaphore(%arg29 : memref<!tpu.dma_semaphore, #tpu.memory_space<semaphore_mem>>)
    %add3A_12 = arith.constant 4 : i32
    %add3A_13 = arith.addi %mul3A_2, %add3A_12 : i32
    %dma_start3A_14 = arith.constant 0 : i32
    %dma_start3A_15 = tpu.memref_slice %arg2[%add3A_13, %dma_start3A_14] : memref<8192x1024xf32, #tpu.memory_space<hbm>> -> memref<4x1024xf32, #tpu.memory_space<hbm>>
    %dma_start3A_16 = arith.constant 0 : i32
    %dma_start3A_17 = tpu.memref_slice %arg2[%add3A_13, %dma_start3A_16] : memref<8192x1024xf32, #tpu.memory_space<hbm>> -> memref<4x1024xf32, #tpu.memory_space<hbm>>
    tpu.enqueue_dma source(%dma_start3A_17 : memref<4x1024xf32, #tpu.memory_space<hbm>>) target(%arg6 : memref<4x1024xf32, #tpu.memory_space<vmem>>) target_semaphore(%arg30 : memref<!tpu.dma_semaphore, #tpu.memory_space<semaphore_mem>>)
    %dma_start3A_18 = arith.constant 0 : i32
    %dma_start3A_19 = tpu.memref_slice %arg3[%add3A_13, %dma_start3A_18] : memref<8192x1024xf32, #tpu.memory_space<hbm>> -> memref<4x1024xf32, #tpu.memory_space<hbm>>
    %dma_start3A_20 = arith.constant 0 : i32
    %dma_start3A_21 = tpu.memref_slice %arg3[%add3A_13, %dma_start3A_20] : memref<8192x1024xf32, #tpu.memory_space<hbm>> -> memref<4x1024xf32, #tpu.memory_space<hbm>>
    tpu.enqueue_dma source(%dma_start3A_21 : memref<4x1024xf32, #tpu.memory_space<hbm>>) target(%arg14 : memref<4x1024xf32, #tpu.memory_space<vmem>>) target_semaphore(%arg30 : memref<!tpu.dma_semaphore, #tpu.memory_space<semaphore_mem>>)
    %add3A_22 = arith.constant 8 : i32
    %add3A_23 = arith.addi %mul3A_2, %add3A_22 : i32
    %dma_start3A_24 = arith.constant 0 : i32
    %dma_start3A_25 = tpu.memref_slice %arg2[%add3A_23, %dma_start3A_24] : memref<8192x1024xf32, #tpu.memory_space<hbm>> -> memref<4x1024xf32, #tpu.memory_space<hbm>>
    %dma_start3A_26 = arith.constant 0 : i32
    %dma_start3A_27 = tpu.memref_slice %arg2[%add3A_23, %dma_start3A_26] : memref<8192x1024xf32, #tpu.memory_space<hbm>> -> memref<4x1024xf32, #tpu.memory_space<hbm>>
    tpu.enqueue_dma source(%dma_start3A_27 : memref<4x1024xf32, #tpu.memory_space<hbm>>) target(%arg7 : memref<4x1024xf32, #tpu.memory_space<vmem>>) target_semaphore(%arg31 : memref<!tpu.dma_semaphore, #tpu.memory_space<semaphore_mem>>)
    %dma_start3A_28 = arith.constant 0 : i32
    %dma_start3A_29 = tpu.memref_slice %arg3[%add3A_23, %dma_start3A_28] : memref<8192x1024xf32, #tpu.memory_space<hbm>> -> memref<4x1024xf32, #tpu.memory_space<hbm>>
    %dma_start3A_30 = arith.constant 0 : i32
    %dma_start3A_31 = tpu.memref_slice %arg3[%add3A_23, %dma_start3A_30] : memref<8192x1024xf32, #tpu.memory_space<hbm>> -> memref<4x1024xf32, #tpu.memory_space<hbm>>
    tpu.enqueue_dma source(%dma_start3A_31 : memref<4x1024xf32, #tpu.memory_space<hbm>>) target(%arg15 : memref<4x1024xf32, #tpu.memory_space<vmem>>) target_semaphore(%arg31 : memref<!tpu.dma_semaphore, #tpu.memory_space<semaphore_mem>>)
    %add3A_32 = arith.constant 12 : i32
    %add3A_33 = arith.addi %mul3A_2, %add3A_32 : i32
    %dma_start3A_34 = arith.constant 0 : i32
    %dma_start3A_35 = tpu.memref_slice %arg2[%add3A_33, %dma_start3A_34] : memref<8192x1024xf32, #tpu.memory_space<hbm>> -> memref<4x1024xf32, #tpu.memory_space<hbm>>
    %dma_start3A_36 = arith.constant 0 : i32
    %dma_start3A_37 = tpu.memref_slice %arg2[%add3A_33, %dma_start3A_36] : memref<8192x1024xf32, #tpu.memory_space<hbm>> -> memref<4x1024xf32, #tpu.memory_space<hbm>>
    tpu.enqueue_dma source(%dma_start3A_37 : memref<4x1024xf32, #tpu.memory_space<hbm>>) target(%arg8 : memref<4x1024xf32, #tpu.memory_space<vmem>>) target_semaphore(%arg32 : memref<!tpu.dma_semaphore, #tpu.memory_space<semaphore_mem>>)
    %dma_start3A_38 = arith.constant 0 : i32
    %dma_start3A_39 = tpu.memref_slice %arg3[%add3A_33, %dma_start3A_38] : memref<8192x1024xf32, #tpu.memory_space<hbm>> -> memref<4x1024xf32, #tpu.memory_space<hbm>>
    %dma_start3A_40 = arith.constant 0 : i32
    %dma_start3A_41 = tpu.memref_slice %arg3[%add3A_33, %dma_start3A_40] : memref<8192x1024xf32, #tpu.memory_space<hbm>> -> memref<4x1024xf32, #tpu.memory_space<hbm>>
    tpu.enqueue_dma source(%dma_start3A_41 : memref<4x1024xf32, #tpu.memory_space<hbm>>) target(%arg16 : memref<4x1024xf32, #tpu.memory_space<vmem>>) target_semaphore(%arg32 : memref<!tpu.dma_semaphore, #tpu.memory_space<semaphore_mem>>)
    %add3A_42 = arith.constant 16 : i32
    %add3A_43 = arith.addi %mul3A_2, %add3A_42 : i32
    %dma_start3A_44 = arith.constant 0 : i32
    %dma_start3A_45 = tpu.memref_slice %arg2[%add3A_43, %dma_start3A_44] : memref<8192x1024xf32, #tpu.memory_space<hbm>> -> memref<4x1024xf32, #tpu.memory_space<hbm>>
    %dma_start3A_46 = arith.constant 0 : i32
    %dma_start3A_47 = tpu.memref_slice %arg2[%add3A_43, %dma_start3A_46] : memref<8192x1024xf32, #tpu.memory_space<hbm>> -> memref<4x1024xf32, #tpu.memory_space<hbm>>
    tpu.enqueue_dma source(%dma_start3A_47 : memref<4x1024xf32, #tpu.memory_space<hbm>>) target(%arg9 : memref<4x1024xf32, #tpu.memory_space<vmem>>) target_semaphore(%arg33 : memref<!tpu.dma_semaphore, #tpu.memory_space<semaphore_mem>>)
    %dma_start3A_48 = arith.constant 0 : i32
    %dma_start3A_49 = tpu.memref_slice %arg3[%add3A_43, %dma_start3A_48] : memref<8192x1024xf32, #tpu.memory_space<hbm>> -> memref<4x1024xf32, #tpu.memory_space<hbm>>
    %dma_start3A_50 = arith.constant 0 : i32
    %dma_start3A_51 = tpu.memref_slice %arg3[%add3A_43, %dma_start3A_50] : memref<8192x1024xf32, #tpu.memory_space<hbm>> -> memref<4x1024xf32, #tpu.memory_space<hbm>>
    tpu.enqueue_dma source(%dma_start3A_51 : memref<4x1024xf32, #tpu.memory_space<hbm>>) target(%arg17 : memref<4x1024xf32, #tpu.memory_space<vmem>>) target_semaphore(%arg33 : memref<!tpu.dma_semaphore, #tpu.memory_space<semaphore_mem>>)
    %add3A_52 = arith.constant 20 : i32
    %add3A_53 = arith.addi %mul3A_2, %add3A_52 : i32
    %dma_start3A_54 = arith.constant 0 : i32
    %dma_start3A_55 = tpu.memref_slice %arg2[%add3A_53, %dma_start3A_54] : memref<8192x1024xf32, #tpu.memory_space<hbm>> -> memref<4x1024xf32, #tpu.memory_space<hbm>>
    %dma_start3A_56 = arith.constant 0 : i32
    %dma_start3A_57 = tpu.memref_slice %arg2[%add3A_53, %dma_start3A_56] : memref<8192x1024xf32, #tpu.memory_space<hbm>> -> memref<4x1024xf32, #tpu.memory_space<hbm>>
    tpu.enqueue_dma source(%dma_start3A_57 : memref<4x1024xf32, #tpu.memory_space<hbm>>) target(%arg10 : memref<4x1024xf32, #tpu.memory_space<vmem>>) target_semaphore(%arg34 : memref<!tpu.dma_semaphore, #tpu.memory_space<semaphore_mem>>)
    %dma_start3A_58 = arith.constant 0 : i32
    %dma_start3A_59 = tpu.memref_slice %arg3[%add3A_53, %dma_start3A_58] : memref<8192x1024xf32, #tpu.memory_space<hbm>> -> memref<4x1024xf32, #tpu.memory_space<hbm>>
    %dma_start3A_60 = arith.constant 0 : i32
    %dma_start3A_61 = tpu.memref_slice %arg3[%add3A_53, %dma_start3A_60] : memref<8192x1024xf32, #tpu.memory_space<hbm>> -> memref<4x1024xf32, #tpu.memory_space<hbm>>
    tpu.enqueue_dma source(%dma_start3A_61 : memref<4x1024xf32, #tpu.memory_space<hbm>>) target(%arg18 : memref<4x1024xf32, #tpu.memory_space<vmem>>) target_semaphore(%arg34 : memref<!tpu.dma_semaphore, #tpu.memory_space<semaphore_mem>>)
    %add3A_62 = arith.constant 24 : i32
    %add3A_63 = arith.addi %mul3A_2, %add3A_62 : i32
    %dma_start3A_64 = arith.constant 0 : i32
    %dma_start3A_65 = tpu.memref_slice %arg2[%add3A_63, %dma_start3A_64] : memref<8192x1024xf32, #tpu.memory_space<hbm>> -> memref<4x1024xf32, #tpu.memory_space<hbm>>
    %dma_start3A_66 = arith.constant 0 : i32
    %dma_start3A_67 = tpu.memref_slice %arg2[%add3A_63, %dma_start3A_66] : memref<8192x1024xf32, #tpu.memory_space<hbm>> -> memref<4x1024xf32, #tpu.memory_space<hbm>>
    tpu.enqueue_dma source(%dma_start3A_67 : memref<4x1024xf32, #tpu.memory_space<hbm>>) target(%arg11 : memref<4x1024xf32, #tpu.memory_space<vmem>>) target_semaphore(%arg35 : memref<!tpu.dma_semaphore, #tpu.memory_space<semaphore_mem>>)
    %dma_start3A_68 = arith.constant 0 : i32
    %dma_start3A_69 = tpu.memref_slice %arg3[%add3A_63, %dma_start3A_68] : memref<8192x1024xf32, #tpu.memory_space<hbm>> -> memref<4x1024xf32, #tpu.memory_space<hbm>>
    %dma_start3A_70 = arith.constant 0 : i32
    %dma_start3A_71 = tpu.memref_slice %arg3[%add3A_63, %dma_start3A_70] : memref<8192x1024xf32, #tpu.memory_space<hbm>> -> memref<4x1024xf32, #tpu.memory_space<hbm>>
    tpu.enqueue_dma source(%dma_start3A_71 : memref<4x1024xf32, #tpu.memory_space<hbm>>) target(%arg19 : memref<4x1024xf32, #tpu.memory_space<vmem>>) target_semaphore(%arg35 : memref<!tpu.dma_semaphore, #tpu.memory_space<semaphore_mem>>)
    %add3A_72 = arith.constant 28 : i32
    %add3A_73 = arith.addi %mul3A_2, %add3A_72 : i32
    %dma_start3A_74 = arith.constant 0 : i32
    %dma_start3A_75 = tpu.memref_slice %arg2[%add3A_73, %dma_start3A_74] : memref<8192x1024xf32, #tpu.memory_space<hbm>> -> memref<4x1024xf32, #tpu.memory_space<hbm>>
    %dma_start3A_76 = arith.constant 0 : i32
    %dma_start3A_77 = tpu.memref_slice %arg2[%add3A_73, %dma_start3A_76] : memref<8192x1024xf32, #tpu.memory_space<hbm>> -> memref<4x1024xf32, #tpu.memory_space<hbm>>
    tpu.enqueue_dma source(%dma_start3A_77 : memref<4x1024xf32, #tpu.memory_space<hbm>>) target(%arg12 : memref<4x1024xf32, #tpu.memory_space<vmem>>) target_semaphore(%arg36 : memref<!tpu.dma_semaphore, #tpu.memory_space<semaphore_mem>>)
    %dma_start3A_78 = arith.constant 0 : i32
    %dma_start3A_79 = tpu.memref_slice %arg3[%add3A_73, %dma_start3A_78] : memref<8192x1024xf32, #tpu.memory_space<hbm>> -> memref<4x1024xf32, #tpu.memory_space<hbm>>
    %dma_start3A_80 = arith.constant 0 : i32
    %dma_start3A_81 = tpu.memref_slice %arg3[%add3A_73, %dma_start3A_80] : memref<8192x1024xf32, #tpu.memory_space<hbm>> -> memref<4x1024xf32, #tpu.memory_space<hbm>>
    tpu.enqueue_dma source(%dma_start3A_81 : memref<4x1024xf32, #tpu.memory_space<hbm>>) target(%arg20 : memref<4x1024xf32, #tpu.memory_space<vmem>>) target_semaphore(%arg36 : memref<!tpu.dma_semaphore, #tpu.memory_space<semaphore_mem>>)
    %scan3A = arith.constant 0 : i32
    %scan3A_82 = arith.constant 0 : i32
    %scan3A_83 = arith.constant 8 : i32
    %scan3A_84 = arith.addi %scan3A_82, %scan3A_83 : i32
    %scan3A_85 = arith.constant 1 : i32
    scf.for %scan3A_134 = %scan3A_82 to %scan3A_84 step %scan3A_85  : i32 {
      %mul3A_135 = arith.constant 8 : i32
      %mul3A_136 = arith.muli %scan3A_134, %mul3A_135 : i32
      %add3A_137 = arith.constant 0 : i32
      %add3A_138 = arith.addi %mul3A_136, %add3A_137 : i32
      %mul3A_139 = arith.constant 4 : i32
      %mul3A_140 = arith.muli %add3A_138, %mul3A_139 : i32
      %add3A_141 = arith.addi %mul3A_2, %mul3A_140 : i32
      %dma_wait3A_142 = arith.constant 0 : i32
      %dma_wait3A_143 = tpu.memref_slice %arg2[%add3A_141, %dma_wait3A_142] : memref<8192x1024xf32, #tpu.memory_space<hbm>> -> memref<4x1024xf32, #tpu.memory_space<hbm>>
      %dma_wait3A_144 = arith.constant 0 : i32
      %dma_wait3A_145 = tpu.memref_slice %arg2[%add3A_141, %dma_wait3A_144] : memref<8192x1024xf32, #tpu.memory_space<hbm>> -> memref<4x1024xf32, #tpu.memory_space<hbm>>
      tpu.wait_dma2 semaphore(%arg29 : memref<!tpu.dma_semaphore, #tpu.memory_space<semaphore_mem>>) src(%dma_wait3A_145 : memref<4x1024xf32, #tpu.memory_space<hbm>>) dst(%arg5 : memref<4x1024xf32, #tpu.memory_space<vmem>>)
      %dma_wait3A_146 = arith.constant 0 : i32
      %dma_wait3A_147 = tpu.memref_slice %arg3[%add3A_141, %dma_wait3A_146] : memref<8192x1024xf32, #tpu.memory_space<hbm>> -> memref<4x1024xf32, #tpu.memory_space<hbm>>
      %dma_wait3A_148 = arith.constant 0 : i32
      %dma_wait3A_149 = tpu.memref_slice %arg3[%add3A_141, %dma_wait3A_148] : memref<8192x1024xf32, #tpu.memory_space<hbm>> -> memref<4x1024xf32, #tpu.memory_space<hbm>>
      tpu.wait_dma2 semaphore(%arg29 : memref<!tpu.dma_semaphore, #tpu.memory_space<semaphore_mem>>) src(%dma_wait3A_149 : memref<4x1024xf32, #tpu.memory_space<hbm>>) dst(%arg13 : memref<4x1024xf32, #tpu.memory_space<vmem>>)
      %gt3A = arith.constant 0 : i32
      %gt3A_150 = arith.cmpi sgt, %scan3A_134, %gt3A : i32
      %convert_element_type3A = arith.extui %gt3A_150 : i1 to i32
      %cond3A = arith.constant 0 : i32
      %cond3A_151 = arith.cmpi ne, %convert_element_type3A, %cond3A : i32
      scf.if %cond3A_151 {
        %sub3A = arith.constant 8 : i32
        %sub3A_426 = arith.subi %add3A_138, %sub3A : i32
        %mul3A_427 = arith.constant 4 : i32
        %mul3A_428 = arith.muli %sub3A_426, %mul3A_427 : i32
        %add3A_429 = arith.addi %mul3A_2, %mul3A_428 : i32
        %dma_wait3A_430 = arith.constant 0 : i32
        %dma_wait3A_431 = tpu.memref_slice %arg4[%add3A_429, %dma_wait3A_430] : memref<8192x1024xf32, #tpu.memory_space<hbm>> -> memref<4x1024xf32, #tpu.memory_space<hbm>>
        %dma_wait3A_432 = arith.constant 0 : i32
        %dma_wait3A_433 = tpu.memref_slice %arg4[%add3A_429, %dma_wait3A_432] : memref<8192x1024xf32, #tpu.memory_space<hbm>> -> memref<4x1024xf32, #tpu.memory_space<hbm>>
        tpu.wait_dma2 semaphore(%arg37 : memref<!tpu.dma_semaphore, #tpu.memory_space<semaphore_mem>>) src(%arg21 : memref<4x1024xf32, #tpu.memory_space<vmem>>) dst(%dma_wait3A_433 : memref<4x1024xf32, #tpu.memory_space<hbm>>)
      } else {
      }
      %parallel_loop3A = arith.constant 0 : i32
      %parallel_loop3A_152 = arith.constant 256 : i32
      %parallel_loop3A_153 = arith.constant 1 : i32
      scf.for %parallel_loop3A_426 = %parallel_loop3A to %parallel_loop3A_152 step %parallel_loop3A_153  : i32 {
        %parallel_loop3A_427 = arith.constant 6 : i32
        %parallel_loop3A_428 = arith.shrui %parallel_loop3A_426, %parallel_loop3A_427 : i32
        %parallel_loop3A_429 = arith.constant 63 : i32
        %parallel_loop3A_430 = arith.andi %parallel_loop3A_426, %parallel_loop3A_429 : i32
        %parallel_loop3A_431 = arith.constant 4 : i32
        %parallel_loop3A_432 = arith.shli %parallel_loop3A_430, %parallel_loop3A_431 : i32
        %parallel_loop3A_433 = tpu.assume_multiple %parallel_loop3A_432, 16 : i32
        %parallel_loop3A_434 = arith.index_cast %parallel_loop3A_428 : i32 to index
        %parallel_loop3A_435 = arith.index_cast %parallel_loop3A_433 : i32 to index
        %parallel_loop3A_436 = tpu.vector_load %arg5[%parallel_loop3A_434, %parallel_loop3A_435] {strides = array<i32>} : memref<4x1024xf32, #tpu.memory_space<vmem>>, vector<1x16xf32>,
        %parallel_loop3A_437 = vector.shape_cast %parallel_loop3A_436 : vector<1x16xf32> to vector<16xf32>
        %parallel_loop3A_438 = arith.index_cast %parallel_loop3A_428 : i32 to index
        %parallel_loop3A_439 = arith.index_cast %parallel_loop3A_433 : i32 to index
        %parallel_loop3A_440 = tpu.vector_load %arg13[%parallel_loop3A_438, %parallel_loop3A_439] {strides = array<i32>} : memref<4x1024xf32, #tpu.memory_space<vmem>>, vector<1x16xf32>,
        %parallel_loop3A_441 = vector.shape_cast %parallel_loop3A_440 : vector<1x16xf32> to vector<16xf32>
        %parallel_loop3A_442 = arith.addf %parallel_loop3A_437, %parallel_loop3A_441 : vector<16xf32>
        %parallel_loop3A_443 = arith.index_cast %parallel_loop3A_428 : i32 to index
        %parallel_loop3A_444 = arith.index_cast %parallel_loop3A_433 : i32 to index
        %parallel_loop3A_445 = tpu.vector_load %arg21[%parallel_loop3A_443, %parallel_loop3A_444] {strides = array<i32>} : memref<4x1024xf32, #tpu.memory_space<vmem>>, vector<1x16xf32>,
        %parallel_loop3A_446 = vector.shape_cast %parallel_loop3A_445 : vector<1x16xf32> to vector<16xf32>
        %parallel_loop3A_447 = vector.shape_cast %parallel_loop3A_442 : vector<16xf32> to vector<1x16xf32>
        tpu.vector_store %arg21[%parallel_loop3A_443, %parallel_loop3A_444], %parallel_loop3A_447 {strides = array<i32>} : memref<4x1024xf32, #tpu.memory_space<vmem>>, vector<1x16xf32>,
      } {sc.loop_unroll_factor = 8 : i64, sc.parallel_access}
      %mul3A_154 = arith.constant 4 : i32
      %mul3A_155 = arith.muli %add3A_138, %mul3A_154 : i32
      %add3A_156 = arith.addi %mul3A_2, %mul3A_155 : i32
      %dma_start3A_157 = arith.constant 0 : i32
      %dma_start3A_158 = tpu.memref_slice %arg4[%add3A_156, %dma_start3A_157] : memref<8192x1024xf32, #tpu.memory_space<hbm>> -> memref<4x1024xf32, #tpu.memory_space<hbm>>
      %dma_start3A_159 = arith.constant 0 : i32
      %dma_start3A_160 = tpu.memref_slice %arg4[%add3A_156, %dma_start3A_159] : memref<8192x1024xf32, #tpu.memory_space<hbm>> -> memref<4x1024xf32, #tpu.memory_space<hbm>>
      tpu.enqueue_dma source(%arg21 : memref<4x1024xf32, #tpu.memory_space<vmem>>) target(%dma_start3A_160 : memref<4x1024xf32, #tpu.memory_space<hbm>>) target_semaphore(%arg37 : memref<!tpu.dma_semaphore, #tpu.memory_space<semaphore_mem>>)
      %add3A_161 = arith.constant 8 : i32
      %add3A_162 = arith.addi %add3A_138, %add3A_161 : i32
      %lt3A = arith.constant 64 : i32
      %lt3A_163 = arith.cmpi slt, %add3A_162, %lt3A : i32
      %convert_element_type3A_164 = arith.extui %lt3A_163 : i1 to i32
      %cond3A_165 = arith.constant 0 : i32
      %cond3A_166 = arith.cmpi ne, %convert_element_type3A_164, %cond3A_165 : i32
      scf.if %cond3A_166 {
        %add3A_426 = arith.constant 8 : i32
        %add3A_427 = arith.addi %add3A_138, %add3A_426 : i32
        %mul3A_428 = arith.constant 4 : i32
        %mul3A_429 = arith.muli %add3A_427, %mul3A_428 : i32
        %add3A_430 = arith.addi %mul3A_2, %mul3A_429 : i32
        %dma_start3A_431 = arith.constant 0 : i32
        %dma_start3A_432 = tpu.memref_slice %arg2[%add3A_430, %dma_start3A_431] : memref<8192x1024xf32, #tpu.memory_space<hbm>> -> memref<4x1024xf32, #tpu.memory_space<hbm>>
        %dma_start3A_433 = arith.constant 0 : i32
        %dma_start3A_434 = tpu.memref_slice %arg2[%add3A_430, %dma_start3A_433] : memref<8192x1024xf32, #tpu.memory_space<hbm>> -> memref<4x1024xf32, #tpu.memory_space<hbm>>
        tpu.enqueue_dma source(%dma_start3A_434 : memref<4x1024xf32, #tpu.memory_space<hbm>>) target(%arg5 : memref<4x1024xf32, #tpu.memory_space<vmem>>) target_semaphore(%arg29 : memref<!tpu.dma_semaphore, #tpu.memory_space<semaphore_mem>>)
        %dma_start3A_435 = arith.constant 0 : i32
        %dma_start3A_436 = tpu.memref_slice %arg3[%add3A_430, %dma_start3A_435] : memref<8192x1024xf32, #tpu.memory_space<hbm>> -> memref<4x1024xf32, #tpu.memory_space<hbm>>
        %dma_start3A_437 = arith.constant 0 : i32
        %dma_start3A_438 = tpu.memref_slice %arg3[%add3A_430, %dma_start3A_437] : memref<8192x1024xf32, #tpu.memory_space<hbm>> -> memref<4x1024xf32, #tpu.memory_space<hbm>>
        tpu.enqueue_dma source(%dma_start3A_438 : memref<4x1024xf32, #tpu.memory_space<hbm>>) target(%arg13 : memref<4x1024xf32, #tpu.memory_space<vmem>>) target_semaphore(%arg29 : memref<!tpu.dma_semaphore, #tpu.memory_space<semaphore_mem>>)
      } else {
      }
      %mul3A_167 = arith.constant 8 : i32
      %mul3A_168 = arith.muli %scan3A_134, %mul3A_167 : i32
      %add3A_169 = arith.constant 1 : i32
      %add3A_170 = arith.addi %mul3A_168, %add3A_169 : i32
      %mul3A_171 = arith.constant 4 : i32
      %mul3A_172 = arith.muli %add3A_170, %mul3A_171 : i32
      %add3A_173 = arith.addi %mul3A_2, %mul3A_172 : i32
      %dma_wait3A_174 = arith.constant 0 : i32
      %dma_wait3A_175 = tpu.memref_slice %arg2[%add3A_173, %dma_wait3A_174] : memref<8192x1024xf32, #tpu.memory_space<hbm>> -> memref<4x1024xf32, #tpu.memory_space<hbm>>
      %dma_wait3A_176 = arith.constant 0 : i32
      %dma_wait3A_177 = tpu.memref_slice %arg2[%add3A_173, %dma_wait3A_176] : memref<8192x1024xf32, #tpu.memory_space<hbm>> -> memref<4x1024xf32, #tpu.memory_space<hbm>>
      tpu.wait_dma2 semaphore(%arg30 : memref<!tpu.dma_semaphore, #tpu.memory_space<semaphore_mem>>) src(%dma_wait3A_177 : memref<4x1024xf32, #tpu.memory_space<hbm>>) dst(%arg6 : memref<4x1024xf32, #tpu.memory_space<vmem>>)
      %dma_wait3A_178 = arith.constant 0 : i32
      %dma_wait3A_179 = tpu.memref_slice %arg3[%add3A_173, %dma_wait3A_178] : memref<8192x1024xf32, #tpu.memory_space<hbm>> -> memref<4x1024xf32, #tpu.memory_space<hbm>>
      %dma_wait3A_180 = arith.constant 0 : i32
      %dma_wait3A_181 = tpu.memref_slice %arg3[%add3A_173, %dma_wait3A_180] : memref<8192x1024xf32, #tpu.memory_space<hbm>> -> memref<4x1024xf32, #tpu.memory_space<hbm>>
      tpu.wait_dma2 semaphore(%arg30 : memref<!tpu.dma_semaphore, #tpu.memory_space<semaphore_mem>>) src(%dma_wait3A_181 : memref<4x1024xf32, #tpu.memory_space<hbm>>) dst(%arg14 : memref<4x1024xf32, #tpu.memory_space<vmem>>)
      %gt3A_182 = arith.constant 0 : i32
      %gt3A_183 = arith.cmpi sgt, %scan3A_134, %gt3A_182 : i32
      %convert_element_type3A_184 = arith.extui %gt3A_183 : i1 to i32
      %cond3A_185 = arith.constant 0 : i32
      %cond3A_186 = arith.cmpi ne, %convert_element_type3A_184, %cond3A_185 : i32
      scf.if %cond3A_186 {
        %sub3A = arith.constant 8 : i32
        %sub3A_426 = arith.subi %add3A_170, %sub3A : i32
        %mul3A_427 = arith.constant 4 : i32
        %mul3A_428 = arith.muli %sub3A_426, %mul3A_427 : i32
        %add3A_429 = arith.addi %mul3A_2, %mul3A_428 : i32
        %dma_wait3A_430 = arith.constant 0 : i32
        %dma_wait3A_431 = tpu.memref_slice %arg4[%add3A_429, %dma_wait3A_430] : memref<8192x1024xf32, #tpu.memory_space<hbm>> -> memref<4x1024xf32, #tpu.memory_space<hbm>>
        %dma_wait3A_432 = arith.constant 0 : i32
        %dma_wait3A_433 = tpu.memref_slice %arg4[%add3A_429, %dma_wait3A_432] : memref<8192x1024xf32, #tpu.memory_space<hbm>> -> memref<4x1024xf32, #tpu.memory_space<hbm>>
        tpu.wait_dma2 semaphore(%arg38 : memref<!tpu.dma_semaphore, #tpu.memory_space<semaphore_mem>>) src(%arg22 : memref<4x1024xf32, #tpu.memory_space<vmem>>) dst(%dma_wait3A_433 : memref<4x1024xf32, #tpu.memory_space<hbm>>)
      } else {
      }
      %parallel_loop3A_187 = arith.constant 0 : i32
      %parallel_loop3A_188 = arith.constant 256 : i32
      %parallel_loop3A_189 = arith.constant 1 : i32
      scf.for %parallel_loop3A_426 = %parallel_loop3A_187 to %parallel_loop3A_188 step %parallel_loop3A_189  : i32 {
        %parallel_loop3A_427 = arith.constant 6 : i32
        %parallel_loop3A_428 = arith.shrui %parallel_loop3A_426, %parallel_loop3A_427 : i32
        %parallel_loop3A_429 = arith.constant 63 : i32
        %parallel_loop3A_430 = arith.andi %parallel_loop3A_426, %parallel_loop3A_429 : i32
        %parallel_loop3A_431 = arith.constant 4 : i32
        %parallel_loop3A_432 = arith.shli %parallel_loop3A_430, %parallel_loop3A_431 : i32
        %parallel_loop3A_433 = tpu.assume_multiple %parallel_loop3A_432, 16 : i32
        %parallel_loop3A_434 = arith.index_cast %parallel_loop3A_428 : i32 to index
        %parallel_loop3A_435 = arith.index_cast %parallel_loop3A_433 : i32 to index
        %parallel_loop3A_436 = tpu.vector_load %arg6[%parallel_loop3A_434, %parallel_loop3A_435] {strides = array<i32>} : memref<4x1024xf32, #tpu.memory_space<vmem>>, vector<1x16xf32>,
        %parallel_loop3A_437 = vector.shape_cast %parallel_loop3A_436 : vector<1x16xf32> to vector<16xf32>
        %parallel_loop3A_438 = arith.index_cast %parallel_loop3A_428 : i32 to index
        %parallel_loop3A_439 = arith.index_cast %parallel_loop3A_433 : i32 to index
        %parallel_loop3A_440 = tpu.vector_load %arg14[%parallel_loop3A_438, %parallel_loop3A_439] {strides = array<i32>} : memref<4x1024xf32, #tpu.memory_space<vmem>>, vector<1x16xf32>,
        %parallel_loop3A_441 = vector.shape_cast %parallel_loop3A_440 : vector<1x16xf32> to vector<16xf32>
        %parallel_loop3A_442 = arith.addf %parallel_loop3A_437, %parallel_loop3A_441 : vector<16xf32>
        %parallel_loop3A_443 = arith.index_cast %parallel_loop3A_428 : i32 to index
        %parallel_loop3A_444 = arith.index_cast %parallel_loop3A_433 : i32 to index
        %parallel_loop3A_445 = tpu.vector_load %arg22[%parallel_loop3A_443, %parallel_loop3A_444] {strides = array<i32>} : memref<4x1024xf32, #tpu.memory_space<vmem>>, vector<1x16xf32>,
        %parallel_loop3A_446 = vector.shape_cast %parallel_loop3A_445 : vector<1x16xf32> to vector<16xf32>
        %parallel_loop3A_447 = vector.shape_cast %parallel_loop3A_442 : vector<16xf32> to vector<1x16xf32>
        tpu.vector_store %arg22[%parallel_loop3A_443, %parallel_loop3A_444], %parallel_loop3A_447 {strides = array<i32>} : memref<4x1024xf32, #tpu.memory_space<vmem>>, vector<1x16xf32>,
      } {sc.loop_unroll_factor = 8 : i64, sc.parallel_access}
      %mul3A_190 = arith.constant 4 : i32
      %mul3A_191 = arith.muli %add3A_170, %mul3A_190 : i32
      %add3A_192 = arith.addi %mul3A_2, %mul3A_191 : i32
      %dma_start3A_193 = arith.constant 0 : i32
      %dma_start3A_194 = tpu.memref_slice %arg4[%add3A_192, %dma_start3A_193] : memref<8192x1024xf32, #tpu.memory_space<hbm>> -> memref<4x1024xf32, #tpu.memory_space<hbm>>
      %dma_start3A_195 = arith.constant 0 : i32
      %dma_start3A_196 = tpu.memref_slice %arg4[%add3A_192, %dma_start3A_195] : memref<8192x1024xf32, #tpu.memory_space<hbm>> -> memref<4x1024xf32, #tpu.memory_space<hbm>>
      tpu.enqueue_dma source(%arg22 : memref<4x1024xf32, #tpu.memory_space<vmem>>) target(%dma_start3A_196 : memref<4x1024xf32, #tpu.memory_space<hbm>>) target_semaphore(%arg38 : memref<!tpu.dma_semaphore, #tpu.memory_space<semaphore_mem>>)
      %add3A_197 = arith.constant 8 : i32
      %add3A_198 = arith.addi %add3A_170, %add3A_197 : i32
      %lt3A_199 = arith.constant 64 : i32
      %lt3A_200 = arith.cmpi slt, %add3A_198, %lt3A_199 : i32
      %convert_element_type3A_201 = arith.extui %lt3A_200 : i1 to i32
      %cond3A_202 = arith.constant 0 : i32
      %cond3A_203 = arith.cmpi ne, %convert_element_type3A_201, %cond3A_202 : i32
      scf.if %cond3A_203 {
        %add3A_426 = arith.constant 8 : i32
        %add3A_427 = arith.addi %add3A_170, %add3A_426 : i32
        %mul3A_428 = arith.constant 4 : i32
        %mul3A_429 = arith.muli %add3A_427, %mul3A_428 : i32
        %add3A_430 = arith.addi %mul3A_2, %mul3A_429 : i32
        %dma_start3A_431 = arith.constant 0 : i32
        %dma_start3A_432 = tpu.memref_slice %arg2[%add3A_430, %dma_start3A_431] : memref<8192x1024xf32, #tpu.memory_space<hbm>> -> memref<4x1024xf32, #tpu.memory_space<hbm>>
        %dma_start3A_433 = arith.constant 0 : i32
        %dma_start3A_434 = tpu.memref_slice %arg2[%add3A_430, %dma_start3A_433] : memref<8192x1024xf32, #tpu.memory_space<hbm>> -> memref<4x1024xf32, #tpu.memory_space<hbm>>
        tpu.enqueue_dma source(%dma_start3A_434 : memref<4x1024xf32, #tpu.memory_space<hbm>>) target(%arg6 : memref<4x1024xf32, #tpu.memory_space<vmem>>) target_semaphore(%arg30 : memref<!tpu.dma_semaphore, #tpu.memory_space<semaphore_mem>>)
        %dma_start3A_435 = arith.constant 0 : i32
        %dma_start3A_436 = tpu.memref_slice %arg3[%add3A_430, %dma_start3A_435] : memref<8192x1024xf32, #tpu.memory_space<hbm>> -> memref<4x1024xf32, #tpu.memory_space<hbm>>
        %dma_start3A_437 = arith.constant 0 : i32
        %dma_start3A_438 = tpu.memref_slice %arg3[%add3A_430, %dma_start3A_437] : memref<8192x1024xf32, #tpu.memory_space<hbm>> -> memref<4x1024xf32, #tpu.memory_space<hbm>>
        tpu.enqueue_dma source(%dma_start3A_438 : memref<4x1024xf32, #tpu.memory_space<hbm>>) target(%arg14 : memref<4x1024xf32, #tpu.memory_space<vmem>>) target_semaphore(%arg30 : memref<!tpu.dma_semaphore, #tpu.memory_space<semaphore_mem>>)
      } else {
      }
      %mul3A_204 = arith.constant 8 : i32
      %mul3A_205 = arith.muli %scan3A_134, %mul3A_204 : i32
      %add3A_206 = arith.constant 2 : i32
      %add3A_207 = arith.addi %mul3A_205, %add3A_206 : i32
      %mul3A_208 = arith.constant 4 : i32
      %mul3A_209 = arith.muli %add3A_207, %mul3A_208 : i32
      %add3A_210 = arith.addi %mul3A_2, %mul3A_209 : i32
      %dma_wait3A_211 = arith.constant 0 : i32
      %dma_wait3A_212 = tpu.memref_slice %arg2[%add3A_210, %dma_wait3A_211] : memref<8192x1024xf32, #tpu.memory_space<hbm>> -> memref<4x1024xf32, #tpu.memory_space<hbm>>
      %dma_wait3A_213 = arith.constant 0 : i32
      %dma_wait3A_214 = tpu.memref_slice %arg2[%add3A_210, %dma_wait3A_213] : memref<8192x1024xf32, #tpu.memory_space<hbm>> -> memref<4x1024xf32, #tpu.memory_space<hbm>>
      tpu.wait_dma2 semaphore(%arg31 : memref<!tpu.dma_semaphore, #tpu.memory_space<semaphore_mem>>) src(%dma_wait3A_214 : memref<4x1024xf32, #tpu.memory_space<hbm>>) dst(%arg7 : memref<4x1024xf32, #tpu.memory_space<vmem>>)
      %dma_wait3A_215 = arith.constant 0 : i32
      %dma_wait3A_216 = tpu.memref_slice %arg3[%add3A_210, %dma_wait3A_215] : memref<8192x1024xf32, #tpu.memory_space<hbm>> -> memref<4x1024xf32, #tpu.memory_space<hbm>>
      %dma_wait3A_217 = arith.constant 0 : i32
      %dma_wait3A_218 = tpu.memref_slice %arg3[%add3A_210, %dma_wait3A_217] : memref<8192x1024xf32, #tpu.memory_space<hbm>> -> memref<4x1024xf32, #tpu.memory_space<hbm>>
      tpu.wait_dma2 semaphore(%arg31 : memref<!tpu.dma_semaphore, #tpu.memory_space<semaphore_mem>>) src(%dma_wait3A_218 : memref<4x1024xf32, #tpu.memory_space<hbm>>) dst(%arg15 : memref<4x1024xf32, #tpu.memory_space<vmem>>)
      %gt3A_219 = arith.constant 0 : i32
      %gt3A_220 = arith.cmpi sgt, %scan3A_134, %gt3A_219 : i32
      %convert_element_type3A_221 = arith.extui %gt3A_220 : i1 to i32
      %cond3A_222 = arith.constant 0 : i32
      %cond3A_223 = arith.cmpi ne, %convert_element_type3A_221, %cond3A_222 : i32
      scf.if %cond3A_223 {
        %sub3A = arith.constant 8 : i32
        %sub3A_426 = arith.subi %add3A_207, %sub3A : i32
        %mul3A_427 = arith.constant 4 : i32
        %mul3A_428 = arith.muli %sub3A_426, %mul3A_427 : i32
        %add3A_429 = arith.addi %mul3A_2, %mul3A_428 : i32
        %dma_wait3A_430 = arith.constant 0 : i32
        %dma_wait3A_431 = tpu.memref_slice %arg4[%add3A_429, %dma_wait3A_430] : memref<8192x1024xf32, #tpu.memory_space<hbm>> -> memref<4x1024xf32, #tpu.memory_space<hbm>>
        %dma_wait3A_432 = arith.constant 0 : i32
        %dma_wait3A_433 = tpu.memref_slice %arg4[%add3A_429, %dma_wait3A_432] : memref<8192x1024xf32, #tpu.memory_space<hbm>> -> memref<4x1024xf32, #tpu.memory_space<hbm>>
        tpu.wait_dma2 semaphore(%arg39 : memref<!tpu.dma_semaphore, #tpu.memory_space<semaphore_mem>>) src(%arg23 : memref<4x1024xf32, #tpu.memory_space<vmem>>) dst(%dma_wait3A_433 : memref<4x1024xf32, #tpu.memory_space<hbm>>)
      } else {
      }
      %parallel_loop3A_224 = arith.constant 0 : i32
      %parallel_loop3A_225 = arith.constant 256 : i32
      %parallel_loop3A_226 = arith.constant 1 : i32
      scf.for %parallel_loop3A_426 = %parallel_loop3A_224 to %parallel_loop3A_225 step %parallel_loop3A_226  : i32 {
        %parallel_loop3A_427 = arith.constant 6 : i32
        %parallel_loop3A_428 = arith.shrui %parallel_loop3A_426, %parallel_loop3A_427 : i32
        %parallel_loop3A_429 = arith.constant 63 : i32
        %parallel_loop3A_430 = arith.andi %parallel_loop3A_426, %parallel_loop3A_429 : i32
        %parallel_loop3A_431 = arith.constant 4 : i32
        %parallel_loop3A_432 = arith.shli %parallel_loop3A_430, %parallel_loop3A_431 : i32
        %parallel_loop3A_433 = tpu.assume_multiple %parallel_loop3A_432, 16 : i32
        %parallel_loop3A_434 = arith.index_cast %parallel_loop3A_428 : i32 to index
        %parallel_loop3A_435 = arith.index_cast %parallel_loop3A_433 : i32 to index
        %parallel_loop3A_436 = tpu.vector_load %arg7[%parallel_loop3A_434, %parallel_loop3A_435] {strides = array<i32>} : memref<4x1024xf32, #tpu.memory_space<vmem>>, vector<1x16xf32>,
        %parallel_loop3A_437 = vector.shape_cast %parallel_loop3A_436 : vector<1x16xf32> to vector<16xf32>
        %parallel_loop3A_438 = arith.index_cast %parallel_loop3A_428 : i32 to index
        %parallel_loop3A_439 = arith.index_cast %parallel_loop3A_433 : i32 to index
        %parallel_loop3A_440 = tpu.vector_load %arg15[%parallel_loop3A_438, %parallel_loop3A_439] {strides = array<i32>} : memref<4x1024xf32, #tpu.memory_space<vmem>>, vector<1x16xf32>,
        %parallel_loop3A_441 = vector.shape_cast %parallel_loop3A_440 : vector<1x16xf32> to vector<16xf32>
        %parallel_loop3A_442 = arith.addf %parallel_loop3A_437, %parallel_loop3A_441 : vector<16xf32>
        %parallel_loop3A_443 = arith.index_cast %parallel_loop3A_428 : i32 to index
        %parallel_loop3A_444 = arith.index_cast %parallel_loop3A_433 : i32 to index
        %parallel_loop3A_445 = tpu.vector_load %arg23[%parallel_loop3A_443, %parallel_loop3A_444] {strides = array<i32>} : memref<4x1024xf32, #tpu.memory_space<vmem>>, vector<1x16xf32>,
        %parallel_loop3A_446 = vector.shape_cast %parallel_loop3A_445 : vector<1x16xf32> to vector<16xf32>
        %parallel_loop3A_447 = vector.shape_cast %parallel_loop3A_442 : vector<16xf32> to vector<1x16xf32>
        tpu.vector_store %arg23[%parallel_loop3A_443, %parallel_loop3A_444], %parallel_loop3A_447 {strides = array<i32>} : memref<4x1024xf32, #tpu.memory_space<vmem>>, vector<1x16xf32>,
      } {sc.loop_unroll_factor = 8 : i64, sc.parallel_access}
      %mul3A_227 = arith.constant 4 : i32
      %mul3A_228 = arith.muli %add3A_207, %mul3A_227 : i32
      %add3A_229 = arith.addi %mul3A_2, %mul3A_228 : i32
      %dma_start3A_230 = arith.constant 0 : i32
      %dma_start3A_231 = tpu.memref_slice %arg4[%add3A_229, %dma_start3A_230] : memref<8192x1024xf32, #tpu.memory_space<hbm>> -> memref<4x1024xf32, #tpu.memory_space<hbm>>
      %dma_start3A_232 = arith.constant 0 : i32
      %dma_start3A_233 = tpu.memref_slice %arg4[%add3A_229, %dma_start3A_232] : memref<8192x1024xf32, #tpu.memory_space<hbm>> -> memref<4x1024xf32, #tpu.memory_space<hbm>>
      tpu.enqueue_dma source(%arg23 : memref<4x1024xf32, #tpu.memory_space<vmem>>) target(%dma_start3A_233 : memref<4x1024xf32, #tpu.memory_space<hbm>>) target_semaphore(%arg39 : memref<!tpu.dma_semaphore, #tpu.memory_space<semaphore_mem>>)
      %add3A_234 = arith.constant 8 : i32
      %add3A_235 = arith.addi %add3A_207, %add3A_234 : i32
      %lt3A_236 = arith.constant 64 : i32
      %lt3A_237 = arith.cmpi slt, %add3A_235, %lt3A_236 : i32
      %convert_element_type3A_238 = arith.extui %lt3A_237 : i1 to i32
      %cond3A_239 = arith.constant 0 : i32
      %cond3A_240 = arith.cmpi ne, %convert_element_type3A_238, %cond3A_239 : i32
      scf.if %cond3A_240 {
        %add3A_426 = arith.constant 8 : i32
        %add3A_427 = arith.addi %add3A_207, %add3A_426 : i32
        %mul3A_428 = arith.constant 4 : i32
        %mul3A_429 = arith.muli %add3A_427, %mul3A_428 : i32
        %add3A_430 = arith.addi %mul3A_2, %mul3A_429 : i32
        %dma_start3A_431 = arith.constant 0 : i32
        %dma_start3A_432 = tpu.memref_slice %arg2[%add3A_430, %dma_start3A_431] : memref<8192x1024xf32, #tpu.memory_space<hbm>> -> memref<4x1024xf32, #tpu.memory_space<hbm>>
        %dma_start3A_433 = arith.constant 0 : i32
        %dma_start3A_434 = tpu.memref_slice %arg2[%add3A_430, %dma_start3A_433] : memref<8192x1024xf32, #tpu.memory_space<hbm>> -> memref<4x1024xf32, #tpu.memory_space<hbm>>
        tpu.enqueue_dma source(%dma_start3A_434 : memref<4x1024xf32, #tpu.memory_space<hbm>>) target(%arg7 : memref<4x1024xf32, #tpu.memory_space<vmem>>) target_semaphore(%arg31 : memref<!tpu.dma_semaphore, #tpu.memory_space<semaphore_mem>>)
        %dma_start3A_435 = arith.constant 0 : i32
        %dma_start3A_436 = tpu.memref_slice %arg3[%add3A_430, %dma_start3A_435] : memref<8192x1024xf32, #tpu.memory_space<hbm>> -> memref<4x1024xf32, #tpu.memory_space<hbm>>
        %dma_start3A_437 = arith.constant 0 : i32
        %dma_start3A_438 = tpu.memref_slice %arg3[%add3A_430, %dma_start3A_437] : memref<8192x1024xf32, #tpu.memory_space<hbm>> -> memref<4x1024xf32, #tpu.memory_space<hbm>>
        tpu.enqueue_dma source(%dma_start3A_438 : memref<4x1024xf32, #tpu.memory_space<hbm>>) target(%arg15 : memref<4x1024xf32, #tpu.memory_space<vmem>>) target_semaphore(%arg31 : memref<!tpu.dma_semaphore, #tpu.memory_space<semaphore_mem>>)
      } else {
      }
      %mul3A_241 = arith.constant 8 : i32
      %mul3A_242 = arith.muli %scan3A_134, %mul3A_241 : i32
      %add3A_243 = arith.constant 3 : i32
      %add3A_244 = arith.addi %mul3A_242, %add3A_243 : i32
      %mul3A_245 = arith.constant 4 : i32
      %mul3A_246 = arith.muli %add3A_244, %mul3A_245 : i32
      %add3A_247 = arith.addi %mul3A_2, %mul3A_246 : i32
      %dma_wait3A_248 = arith.constant 0 : i32
      %dma_wait3A_249 = tpu.memref_slice %arg2[%add3A_247, %dma_wait3A_248] : memref<8192x1024xf32, #tpu.memory_space<hbm>> -> memref<4x1024xf32, #tpu.memory_space<hbm>>
      %dma_wait3A_250 = arith.constant 0 : i32
      %dma_wait3A_251 = tpu.memref_slice %arg2[%add3A_247, %dma_wait3A_250] : memref<8192x1024xf32, #tpu.memory_space<hbm>> -> memref<4x1024xf32, #tpu.memory_space<hbm>>
      tpu.wait_dma2 semaphore(%arg32 : memref<!tpu.dma_semaphore, #tpu.memory_space<semaphore_mem>>) src(%dma_wait3A_251 : memref<4x1024xf32, #tpu.memory_space<hbm>>) dst(%arg8 : memref<4x1024xf32, #tpu.memory_space<vmem>>)
      %dma_wait3A_252 = arith.constant 0 : i32
      %dma_wait3A_253 = tpu.memref_slice %arg3[%add3A_247, %dma_wait3A_252] : memref<8192x1024xf32, #tpu.memory_space<hbm>> -> memref<4x1024xf32, #tpu.memory_space<hbm>>
      %dma_wait3A_254 = arith.constant 0 : i32
      %dma_wait3A_255 = tpu.memref_slice %arg3[%add3A_247, %dma_wait3A_254] : memref<8192x1024xf32, #tpu.memory_space<hbm>> -> memref<4x1024xf32, #tpu.memory_space<hbm>>
      tpu.wait_dma2 semaphore(%arg32 : memref<!tpu.dma_semaphore, #tpu.memory_space<semaphore_mem>>) src(%dma_wait3A_255 : memref<4x1024xf32, #tpu.memory_space<hbm>>) dst(%arg16 : memref<4x1024xf32, #tpu.memory_space<vmem>>)
      %gt3A_256 = arith.constant 0 : i32
      %gt3A_257 = arith.cmpi sgt, %scan3A_134, %gt3A_256 : i32
      %convert_element_type3A_258 = arith.extui %gt3A_257 : i1 to i32
      %cond3A_259 = arith.constant 0 : i32
      %cond3A_260 = arith.cmpi ne, %convert_element_type3A_258, %cond3A_259 : i32
      scf.if %cond3A_260 {
        %sub3A = arith.constant 8 : i32
        %sub3A_426 = arith.subi %add3A_244, %sub3A : i32
        %mul3A_427 = arith.constant 4 : i32
        %mul3A_428 = arith.muli %sub3A_426, %mul3A_427 : i32
        %add3A_429 = arith.addi %mul3A_2, %mul3A_428 : i32
        %dma_wait3A_430 = arith.constant 0 : i32
        %dma_wait3A_431 = tpu.memref_slice %arg4[%add3A_429, %dma_wait3A_430] : memref<8192x1024xf32, #tpu.memory_space<hbm>> -> memref<4x1024xf32, #tpu.memory_space<hbm>>
        %dma_wait3A_432 = arith.constant 0 : i32
        %dma_wait3A_433 = tpu.memref_slice %arg4[%add3A_429, %dma_wait3A_432] : memref<8192x1024xf32, #tpu.memory_space<hbm>> -> memref<4x1024xf32, #tpu.memory_space<hbm>>
        tpu.wait_dma2 semaphore(%arg40 : memref<!tpu.dma_semaphore, #tpu.memory_space<semaphore_mem>>) src(%arg24 : memref<4x1024xf32, #tpu.memory_space<vmem>>) dst(%dma_wait3A_433 : memref<4x1024xf32, #tpu.memory_space<hbm>>)
      } else {
      }
      %parallel_loop3A_261 = arith.constant 0 : i32
      %parallel_loop3A_262 = arith.constant 256 : i32
      %parallel_loop3A_263 = arith.constant 1 : i32
      scf.for %parallel_loop3A_426 = %parallel_loop3A_261 to %parallel_loop3A_262 step %parallel_loop3A_263  : i32 {
        %parallel_loop3A_427 = arith.constant 6 : i32
        %parallel_loop3A_428 = arith.shrui %parallel_loop3A_426, %parallel_loop3A_427 : i32
        %parallel_loop3A_429 = arith.constant 63 : i32
        %parallel_loop3A_430 = arith.andi %parallel_loop3A_426, %parallel_loop3A_429 : i32
        %parallel_loop3A_431 = arith.constant 4 : i32
        %parallel_loop3A_432 = arith.shli %parallel_loop3A_430, %parallel_loop3A_431 : i32
        %parallel_loop3A_433 = tpu.assume_multiple %parallel_loop3A_432, 16 : i32
        %parallel_loop3A_434 = arith.index_cast %parallel_loop3A_428 : i32 to index
        %parallel_loop3A_435 = arith.index_cast %parallel_loop3A_433 : i32 to index
        %parallel_loop3A_436 = tpu.vector_load %arg8[%parallel_loop3A_434, %parallel_loop3A_435] {strides = array<i32>} : memref<4x1024xf32, #tpu.memory_space<vmem>>, vector<1x16xf32>,
        %parallel_loop3A_437 = vector.shape_cast %parallel_loop3A_436 : vector<1x16xf32> to vector<16xf32>
        %parallel_loop3A_438 = arith.index_cast %parallel_loop3A_428 : i32 to index
        %parallel_loop3A_439 = arith.index_cast %parallel_loop3A_433 : i32 to index
        %parallel_loop3A_440 = tpu.vector_load %arg16[%parallel_loop3A_438, %parallel_loop3A_439] {strides = array<i32>} : memref<4x1024xf32, #tpu.memory_space<vmem>>, vector<1x16xf32>,
        %parallel_loop3A_441 = vector.shape_cast %parallel_loop3A_440 : vector<1x16xf32> to vector<16xf32>
        %parallel_loop3A_442 = arith.addf %parallel_loop3A_437, %parallel_loop3A_441 : vector<16xf32>
        %parallel_loop3A_443 = arith.index_cast %parallel_loop3A_428 : i32 to index
        %parallel_loop3A_444 = arith.index_cast %parallel_loop3A_433 : i32 to index
        %parallel_loop3A_445 = tpu.vector_load %arg24[%parallel_loop3A_443, %parallel_loop3A_444] {strides = array<i32>} : memref<4x1024xf32, #tpu.memory_space<vmem>>, vector<1x16xf32>,
        %parallel_loop3A_446 = vector.shape_cast %parallel_loop3A_445 : vector<1x16xf32> to vector<16xf32>
        %parallel_loop3A_447 = vector.shape_cast %parallel_loop3A_442 : vector<16xf32> to vector<1x16xf32>
        tpu.vector_store %arg24[%parallel_loop3A_443, %parallel_loop3A_444], %parallel_loop3A_447 {strides = array<i32>} : memref<4x1024xf32, #tpu.memory_space<vmem>>, vector<1x16xf32>,
      } {sc.loop_unroll_factor = 8 : i64, sc.parallel_access}
      %mul3A_264 = arith.constant 4 : i32
      %mul3A_265 = arith.muli %add3A_244, %mul3A_264 : i32
      %add3A_266 = arith.addi %mul3A_2, %mul3A_265 : i32
      %dma_start3A_267 = arith.constant 0 : i32
      %dma_start3A_268 = tpu.memref_slice %arg4[%add3A_266, %dma_start3A_267] : memref<8192x1024xf32, #tpu.memory_space<hbm>> -> memref<4x1024xf32, #tpu.memory_space<hbm>>
      %dma_start3A_269 = arith.constant 0 : i32
      %dma_start3A_270 = tpu.memref_slice %arg4[%add3A_266, %dma_start3A_269] : memref<8192x1024xf32, #tpu.memory_space<hbm>> -> memref<4x1024xf32, #tpu.memory_space<hbm>>
      tpu.enqueue_dma source(%arg24 : memref<4x1024xf32, #tpu.memory_space<vmem>>) target(%dma_start3A_270 : memref<4x1024xf32, #tpu.memory_space<hbm>>) target_semaphore(%arg40 : memref<!tpu.dma_semaphore, #tpu.memory_space<semaphore_mem>>)
      %add3A_271 = arith.constant 8 : i32
      %add3A_272 = arith.addi %add3A_244, %add3A_271 : i32
      %lt3A_273 = arith.constant 64 : i32
      %lt3A_274 = arith.cmpi slt, %add3A_272, %lt3A_273 : i32
      %convert_element_type3A_275 = arith.extui %lt3A_274 : i1 to i32
      %cond3A_276 = arith.constant 0 : i32
      %cond3A_277 = arith.cmpi ne, %convert_element_type3A_275, %cond3A_276 : i32
      scf.if %cond3A_277 {
        %add3A_426 = arith.constant 8 : i32
        %add3A_427 = arith.addi %add3A_244, %add3A_426 : i32
        %mul3A_428 = arith.constant 4 : i32
        %mul3A_429 = arith.muli %add3A_427, %mul3A_428 : i32
        %add3A_430 = arith.addi %mul3A_2, %mul3A_429 : i32
        %dma_start3A_431 = arith.constant 0 : i32
        %dma_start3A_432 = tpu.memref_slice %arg2[%add3A_430, %dma_start3A_431] : memref<8192x1024xf32, #tpu.memory_space<hbm>> -> memref<4x1024xf32, #tpu.memory_space<hbm>>
        %dma_start3A_433 = arith.constant 0 : i32
        %dma_start3A_434 = tpu.memref_slice %arg2[%add3A_430, %dma_start3A_433] : memref<8192x1024xf32, #tpu.memory_space<hbm>> -> memref<4x1024xf32, #tpu.memory_space<hbm>>
        tpu.enqueue_dma source(%dma_start3A_434 : memref<4x1024xf32, #tpu.memory_space<hbm>>) target(%arg8 : memref<4x1024xf32, #tpu.memory_space<vmem>>) target_semaphore(%arg32 : memref<!tpu.dma_semaphore, #tpu.memory_space<semaphore_mem>>)
        %dma_start3A_435 = arith.constant 0 : i32
        %dma_start3A_436 = tpu.memref_slice %arg3[%add3A_430, %dma_start3A_435] : memref<8192x1024xf32, #tpu.memory_space<hbm>> -> memref<4x1024xf32, #tpu.memory_space<hbm>>
        %dma_start3A_437 = arith.constant 0 : i32
        %dma_start3A_438 = tpu.memref_slice %arg3[%add3A_430, %dma_start3A_437] : memref<8192x1024xf32, #tpu.memory_space<hbm>> -> memref<4x1024xf32, #tpu.memory_space<hbm>>
        tpu.enqueue_dma source(%dma_start3A_438 : memref<4x1024xf32, #tpu.memory_space<hbm>>) target(%arg16 : memref<4x1024xf32, #tpu.memory_space<vmem>>) target_semaphore(%arg32 : memref<!tpu.dma_semaphore, #tpu.memory_space<semaphore_mem>>)
      } else {
      }
      %mul3A_278 = arith.constant 8 : i32
      %mul3A_279 = arith.muli %scan3A_134, %mul3A_278 : i32
      %add3A_280 = arith.constant 4 : i32
      %add3A_281 = arith.addi %mul3A_279, %add3A_280 : i32
      %mul3A_282 = arith.constant 4 : i32
      %mul3A_283 = arith.muli %add3A_281, %mul3A_282 : i32
      %add3A_284 = arith.addi %mul3A_2, %mul3A_283 : i32
      %dma_wait3A_285 = arith.constant 0 : i32
      %dma_wait3A_286 = tpu.memref_slice %arg2[%add3A_284, %dma_wait3A_285] : memref<8192x1024xf32, #tpu.memory_space<hbm>> -> memref<4x1024xf32, #tpu.memory_space<hbm>>
      %dma_wait3A_287 = arith.constant 0 : i32
      %dma_wait3A_288 = tpu.memref_slice %arg2[%add3A_284, %dma_wait3A_287] : memref<8192x1024xf32, #tpu.memory_space<hbm>> -> memref<4x1024xf32, #tpu.memory_space<hbm>>
      tpu.wait_dma2 semaphore(%arg33 : memref<!tpu.dma_semaphore, #tpu.memory_space<semaphore_mem>>) src(%dma_wait3A_288 : memref<4x1024xf32, #tpu.memory_space<hbm>>) dst(%arg9 : memref<4x1024xf32, #tpu.memory_space<vmem>>)
      %dma_wait3A_289 = arith.constant 0 : i32
      %dma_wait3A_290 = tpu.memref_slice %arg3[%add3A_284, %dma_wait3A_289] : memref<8192x1024xf32, #tpu.memory_space<hbm>> -> memref<4x1024xf32, #tpu.memory_space<hbm>>
      %dma_wait3A_291 = arith.constant 0 : i32
      %dma_wait3A_292 = tpu.memref_slice %arg3[%add3A_284, %dma_wait3A_291] : memref<8192x1024xf32, #tpu.memory_space<hbm>> -> memref<4x1024xf32, #tpu.memory_space<hbm>>
      tpu.wait_dma2 semaphore(%arg33 : memref<!tpu.dma_semaphore, #tpu.memory_space<semaphore_mem>>) src(%dma_wait3A_292 : memref<4x1024xf32, #tpu.memory_space<hbm>>) dst(%arg17 : memref<4x1024xf32, #tpu.memory_space<vmem>>)
      %gt3A_293 = arith.constant 0 : i32
      %gt3A_294 = arith.cmpi sgt, %scan3A_134, %gt3A_293 : i32
      %convert_element_type3A_295 = arith.extui %gt3A_294 : i1 to i32
      %cond3A_296 = arith.constant 0 : i32
      %cond3A_297 = arith.cmpi ne, %convert_element_type3A_295, %cond3A_296 : i32
      scf.if %cond3A_297 {
        %sub3A = arith.constant 8 : i32
        %sub3A_426 = arith.subi %add3A_281, %sub3A : i32
        %mul3A_427 = arith.constant 4 : i32
        %mul3A_428 = arith.muli %sub3A_426, %mul3A_427 : i32
        %add3A_429 = arith.addi %mul3A_2, %mul3A_428 : i32
        %dma_wait3A_430 = arith.constant 0 : i32
        %dma_wait3A_431 = tpu.memref_slice %arg4[%add3A_429, %dma_wait3A_430] : memref<8192x1024xf32, #tpu.memory_space<hbm>> -> memref<4x1024xf32, #tpu.memory_space<hbm>>
        %dma_wait3A_432 = arith.constant 0 : i32
        %dma_wait3A_433 = tpu.memref_slice %arg4[%add3A_429, %dma_wait3A_432] : memref<8192x1024xf32, #tpu.memory_space<hbm>> -> memref<4x1024xf32, #tpu.memory_space<hbm>>
        tpu.wait_dma2 semaphore(%arg41 : memref<!tpu.dma_semaphore, #tpu.memory_space<semaphore_mem>>) src(%arg25 : memref<4x1024xf32, #tpu.memory_space<vmem>>) dst(%dma_wait3A_433 : memref<4x1024xf32, #tpu.memory_space<hbm>>)
      } else {
      }
      %parallel_loop3A_298 = arith.constant 0 : i32
      %parallel_loop3A_299 = arith.constant 256 : i32
      %parallel_loop3A_300 = arith.constant 1 : i32
      scf.for %parallel_loop3A_426 = %parallel_loop3A_298 to %parallel_loop3A_299 step %parallel_loop3A_300  : i32 {
        %parallel_loop3A_427 = arith.constant 6 : i32
        %parallel_loop3A_428 = arith.shrui %parallel_loop3A_426, %parallel_loop3A_427 : i32
        %parallel_loop3A_429 = arith.constant 63 : i32
        %parallel_loop3A_430 = arith.andi %parallel_loop3A_426, %parallel_loop3A_429 : i32
        %parallel_loop3A_431 = arith.constant 4 : i32
        %parallel_loop3A_432 = arith.shli %parallel_loop3A_430, %parallel_loop3A_431 : i32
        %parallel_loop3A_433 = tpu.assume_multiple %parallel_loop3A_432, 16 : i32
        %parallel_loop3A_434 = arith.index_cast %parallel_loop3A_428 : i32 to index
        %parallel_loop3A_435 = arith.index_cast %parallel_loop3A_433 : i32 to index
        %parallel_loop3A_436 = tpu.vector_load %arg9[%parallel_loop3A_434, %parallel_loop3A_435] {strides = array<i32>} : memref<4x1024xf32, #tpu.memory_space<vmem>>, vector<1x16xf32>,
        %parallel_loop3A_437 = vector.shape_cast %parallel_loop3A_436 : vector<1x16xf32> to vector<16xf32>
        %parallel_loop3A_438 = arith.index_cast %parallel_loop3A_428 : i32 to index
        %parallel_loop3A_439 = arith.index_cast %parallel_loop3A_433 : i32 to index
        %parallel_loop3A_440 = tpu.vector_load %arg17[%parallel_loop3A_438, %parallel_loop3A_439] {strides = array<i32>} : memref<4x1024xf32, #tpu.memory_space<vmem>>, vector<1x16xf32>,
        %parallel_loop3A_441 = vector.shape_cast %parallel_loop3A_440 : vector<1x16xf32> to vector<16xf32>
        %parallel_loop3A_442 = arith.addf %parallel_loop3A_437, %parallel_loop3A_441 : vector<16xf32>
        %parallel_loop3A_443 = arith.index_cast %parallel_loop3A_428 : i32 to index
        %parallel_loop3A_444 = arith.index_cast %parallel_loop3A_433 : i32 to index
        %parallel_loop3A_445 = tpu.vector_load %arg25[%parallel_loop3A_443, %parallel_loop3A_444] {strides = array<i32>} : memref<4x1024xf32, #tpu.memory_space<vmem>>, vector<1x16xf32>,
        %parallel_loop3A_446 = vector.shape_cast %parallel_loop3A_445 : vector<1x16xf32> to vector<16xf32>
        %parallel_loop3A_447 = vector.shape_cast %parallel_loop3A_442 : vector<16xf32> to vector<1x16xf32>
        tpu.vector_store %arg25[%parallel_loop3A_443, %parallel_loop3A_444], %parallel_loop3A_447 {strides = array<i32>} : memref<4x1024xf32, #tpu.memory_space<vmem>>, vector<1x16xf32>,
      } {sc.loop_unroll_factor = 8 : i64, sc.parallel_access}
      %mul3A_301 = arith.constant 4 : i32
      %mul3A_302 = arith.muli %add3A_281, %mul3A_301 : i32
      %add3A_303 = arith.addi %mul3A_2, %mul3A_302 : i32
      %dma_start3A_304 = arith.constant 0 : i32
      %dma_start3A_305 = tpu.memref_slice %arg4[%add3A_303, %dma_start3A_304] : memref<8192x1024xf32, #tpu.memory_space<hbm>> -> memref<4x1024xf32, #tpu.memory_space<hbm>>
      %dma_start3A_306 = arith.constant 0 : i32
      %dma_start3A_307 = tpu.memref_slice %arg4[%add3A_303, %dma_start3A_306] : memref<8192x1024xf32, #tpu.memory_space<hbm>> -> memref<4x1024xf32, #tpu.memory_space<hbm>>
      tpu.enqueue_dma source(%arg25 : memref<4x1024xf32, #tpu.memory_space<vmem>>) target(%dma_start3A_307 : memref<4x1024xf32, #tpu.memory_space<hbm>>) target_semaphore(%arg41 : memref<!tpu.dma_semaphore, #tpu.memory_space<semaphore_mem>>)
      %add3A_308 = arith.constant 8 : i32
      %add3A_309 = arith.addi %add3A_281, %add3A_308 : i32
      %lt3A_310 = arith.constant 64 : i32
      %lt3A_311 = arith.cmpi slt, %add3A_309, %lt3A_310 : i32
      %convert_element_type3A_312 = arith.extui %lt3A_311 : i1 to i32
      %cond3A_313 = arith.constant 0 : i32
      %cond3A_314 = arith.cmpi ne, %convert_element_type3A_312, %cond3A_313 : i32
      scf.if %cond3A_314 {
        %add3A_426 = arith.constant 8 : i32
        %add3A_427 = arith.addi %add3A_281, %add3A_426 : i32
        %mul3A_428 = arith.constant 4 : i32
        %mul3A_429 = arith.muli %add3A_427, %mul3A_428 : i32
        %add3A_430 = arith.addi %mul3A_2, %mul3A_429 : i32
        %dma_start3A_431 = arith.constant 0 : i32
        %dma_start3A_432 = tpu.memref_slice %arg2[%add3A_430, %dma_start3A_431] : memref<8192x1024xf32, #tpu.memory_space<hbm>> -> memref<4x1024xf32, #tpu.memory_space<hbm>>
        %dma_start3A_433 = arith.constant 0 : i32
        %dma_start3A_434 = tpu.memref_slice %arg2[%add3A_430, %dma_start3A_433] : memref<8192x1024xf32, #tpu.memory_space<hbm>> -> memref<4x1024xf32, #tpu.memory_space<hbm>>
        tpu.enqueue_dma source(%dma_start3A_434 : memref<4x1024xf32, #tpu.memory_space<hbm>>) target(%arg9 : memref<4x1024xf32, #tpu.memory_space<vmem>>) target_semaphore(%arg33 : memref<!tpu.dma_semaphore, #tpu.memory_space<semaphore_mem>>)
        %dma_start3A_435 = arith.constant 0 : i32
        %dma_start3A_436 = tpu.memref_slice %arg3[%add3A_430, %dma_start3A_435] : memref<8192x1024xf32, #tpu.memory_space<hbm>> -> memref<4x1024xf32, #tpu.memory_space<hbm>>
        %dma_start3A_437 = arith.constant 0 : i32
        %dma_start3A_438 = tpu.memref_slice %arg3[%add3A_430, %dma_start3A_437] : memref<8192x1024xf32, #tpu.memory_space<hbm>> -> memref<4x1024xf32, #tpu.memory_space<hbm>>
        tpu.enqueue_dma source(%dma_start3A_438 : memref<4x1024xf32, #tpu.memory_space<hbm>>) target(%arg17 : memref<4x1024xf32, #tpu.memory_space<vmem>>) target_semaphore(%arg33 : memref<!tpu.dma_semaphore, #tpu.memory_space<semaphore_mem>>)
      } else {
      }
      %mul3A_315 = arith.constant 8 : i32
      %mul3A_316 = arith.muli %scan3A_134, %mul3A_315 : i32
      %add3A_317 = arith.constant 5 : i32
      %add3A_318 = arith.addi %mul3A_316, %add3A_317 : i32
      %mul3A_319 = arith.constant 4 : i32
      %mul3A_320 = arith.muli %add3A_318, %mul3A_319 : i32
      %add3A_321 = arith.addi %mul3A_2, %mul3A_320 : i32
      %dma_wait3A_322 = arith.constant 0 : i32
      %dma_wait3A_323 = tpu.memref_slice %arg2[%add3A_321, %dma_wait3A_322] : memref<8192x1024xf32, #tpu.memory_space<hbm>> -> memref<4x1024xf32, #tpu.memory_space<hbm>>
      %dma_wait3A_324 = arith.constant 0 : i32
      %dma_wait3A_325 = tpu.memref_slice %arg2[%add3A_321, %dma_wait3A_324] : memref<8192x1024xf32, #tpu.memory_space<hbm>> -> memref<4x1024xf32, #tpu.memory_space<hbm>>
      tpu.wait_dma2 semaphore(%arg34 : memref<!tpu.dma_semaphore, #tpu.memory_space<semaphore_mem>>) src(%dma_wait3A_325 : memref<4x1024xf32, #tpu.memory_space<hbm>>) dst(%arg10 : memref<4x1024xf32, #tpu.memory_space<vmem>>)
      %dma_wait3A_326 = arith.constant 0 : i32
      %dma_wait3A_327 = tpu.memref_slice %arg3[%add3A_321, %dma_wait3A_326] : memref<8192x1024xf32, #tpu.memory_space<hbm>> -> memref<4x1024xf32, #tpu.memory_space<hbm>>
      %dma_wait3A_328 = arith.constant 0 : i32
      %dma_wait3A_329 = tpu.memref_slice %arg3[%add3A_321, %dma_wait3A_328] : memref<8192x1024xf32, #tpu.memory_space<hbm>> -> memref<4x1024xf32, #tpu.memory_space<hbm>>
      tpu.wait_dma2 semaphore(%arg34 : memref<!tpu.dma_semaphore, #tpu.memory_space<semaphore_mem>>) src(%dma_wait3A_329 : memref<4x1024xf32, #tpu.memory_space<hbm>>) dst(%arg18 : memref<4x1024xf32, #tpu.memory_space<vmem>>)
      %gt3A_330 = arith.constant 0 : i32
      %gt3A_331 = arith.cmpi sgt, %scan3A_134, %gt3A_330 : i32
      %convert_element_type3A_332 = arith.extui %gt3A_331 : i1 to i32
      %cond3A_333 = arith.constant 0 : i32
      %cond3A_334 = arith.cmpi ne, %convert_element_type3A_332, %cond3A_333 : i32
      scf.if %cond3A_334 {
        %sub3A = arith.constant 8 : i32
        %sub3A_426 = arith.subi %add3A_318, %sub3A : i32
        %mul3A_427 = arith.constant 4 : i32
        %mul3A_428 = arith.muli %sub3A_426, %mul3A_427 : i32
        %add3A_429 = arith.addi %mul3A_2, %mul3A_428 : i32
        %dma_wait3A_430 = arith.constant 0 : i32
        %dma_wait3A_431 = tpu.memref_slice %arg4[%add3A_429, %dma_wait3A_430] : memref<8192x1024xf32, #tpu.memory_space<hbm>> -> memref<4x1024xf32, #tpu.memory_space<hbm>>
        %dma_wait3A_432 = arith.constant 0 : i32
        %dma_wait3A_433 = tpu.memref_slice %arg4[%add3A_429, %dma_wait3A_432] : memref<8192x1024xf32, #tpu.memory_space<hbm>> -> memref<4x1024xf32, #tpu.memory_space<hbm>>
        tpu.wait_dma2 semaphore(%arg42 : memref<!tpu.dma_semaphore, #tpu.memory_space<semaphore_mem>>) src(%arg26 : memref<4x1024xf32, #tpu.memory_space<vmem>>) dst(%dma_wait3A_433 : memref<4x1024xf32, #tpu.memory_space<hbm>>)
      } else {
      }
      %parallel_loop3A_335 = arith.constant 0 : i32
      %parallel_loop3A_336 = arith.constant 256 : i32
      %parallel_loop3A_337 = arith.constant 1 : i32
      scf.for %parallel_loop3A_426 = %parallel_loop3A_335 to %parallel_loop3A_336 step %parallel_loop3A_337  : i32 {
        %parallel_loop3A_427 = arith.constant 6 : i32
        %parallel_loop3A_428 = arith.shrui %parallel_loop3A_426, %parallel_loop3A_427 : i32
        %parallel_loop3A_429 = arith.constant 63 : i32
        %parallel_loop3A_430 = arith.andi %parallel_loop3A_426, %parallel_loop3A_429 : i32
        %parallel_loop3A_431 = arith.constant 4 : i32
        %parallel_loop3A_432 = arith.shli %parallel_loop3A_430, %parallel_loop3A_431 : i32
        %parallel_loop3A_433 = tpu.assume_multiple %parallel_loop3A_432, 16 : i32
        %parallel_loop3A_434 = arith.index_cast %parallel_loop3A_428 : i32 to index
        %parallel_loop3A_435 = arith.index_cast %parallel_loop3A_433 : i32 to index
        %parallel_loop3A_436 = tpu.vector_load %arg10[%parallel_loop3A_434, %parallel_loop3A_435] {strides = array<i32>} : memref<4x1024xf32, #tpu.memory_space<vmem>>, vector<1x16xf32>,
        %parallel_loop3A_437 = vector.shape_cast %parallel_loop3A_436 : vector<1x16xf32> to vector<16xf32>
        %parallel_loop3A_438 = arith.index_cast %parallel_loop3A_428 : i32 to index
        %parallel_loop3A_439 = arith.index_cast %parallel_loop3A_433 : i32 to index
        %parallel_loop3A_440 = tpu.vector_load %arg18[%parallel_loop3A_438, %parallel_loop3A_439] {strides = array<i32>} : memref<4x1024xf32, #tpu.memory_space<vmem>>, vector<1x16xf32>,
        %parallel_loop3A_441 = vector.shape_cast %parallel_loop3A_440 : vector<1x16xf32> to vector<16xf32>
        %parallel_loop3A_442 = arith.addf %parallel_loop3A_437, %parallel_loop3A_441 : vector<16xf32>
        %parallel_loop3A_443 = arith.index_cast %parallel_loop3A_428 : i32 to index
        %parallel_loop3A_444 = arith.index_cast %parallel_loop3A_433 : i32 to index
        %parallel_loop3A_445 = tpu.vector_load %arg26[%parallel_loop3A_443, %parallel_loop3A_444] {strides = array<i32>} : memref<4x1024xf32, #tpu.memory_space<vmem>>, vector<1x16xf32>,
        %parallel_loop3A_446 = vector.shape_cast %parallel_loop3A_445 : vector<1x16xf32> to vector<16xf32>
        %parallel_loop3A_447 = vector.shape_cast %parallel_loop3A_442 : vector<16xf32> to vector<1x16xf32>
        tpu.vector_store %arg26[%parallel_loop3A_443, %parallel_loop3A_444], %parallel_loop3A_447 {strides = array<i32>} : memref<4x1024xf32, #tpu.memory_space<vmem>>, vector<1x16xf32>,
      } {sc.loop_unroll_factor = 8 : i64, sc.parallel_access}
      %mul3A_338 = arith.constant 4 : i32
      %mul3A_339 = arith.muli %add3A_318, %mul3A_338 : i32
      %add3A_340 = arith.addi %mul3A_2, %mul3A_339 : i32
      %dma_start3A_341 = arith.constant 0 : i32
      %dma_start3A_342 = tpu.memref_slice %arg4[%add3A_340, %dma_start3A_341] : memref<8192x1024xf32, #tpu.memory_space<hbm>> -> memref<4x1024xf32, #tpu.memory_space<hbm>>
      %dma_start3A_343 = arith.constant 0 : i32
      %dma_start3A_344 = tpu.memref_slice %arg4[%add3A_340, %dma_start3A_343] : memref<8192x1024xf32, #tpu.memory_space<hbm>> -> memref<4x1024xf32, #tpu.memory_space<hbm>>
      tpu.enqueue_dma source(%arg26 : memref<4x1024xf32, #tpu.memory_space<vmem>>) target(%dma_start3A_344 : memref<4x1024xf32, #tpu.memory_space<hbm>>) target_semaphore(%arg42 : memref<!tpu.dma_semaphore, #tpu.memory_space<semaphore_mem>>)
      %add3A_345 = arith.constant 8 : i32
      %add3A_346 = arith.addi %add3A_318, %add3A_345 : i32
      %lt3A_347 = arith.constant 64 : i32
      %lt3A_348 = arith.cmpi slt, %add3A_346, %lt3A_347 : i32
      %convert_element_type3A_349 = arith.extui %lt3A_348 : i1 to i32
      %cond3A_350 = arith.constant 0 : i32
      %cond3A_351 = arith.cmpi ne, %convert_element_type3A_349, %cond3A_350 : i32
      scf.if %cond3A_351 {
        %add3A_426 = arith.constant 8 : i32
        %add3A_427 = arith.addi %add3A_318, %add3A_426 : i32
        %mul3A_428 = arith.constant 4 : i32
        %mul3A_429 = arith.muli %add3A_427, %mul3A_428 : i32
        %add3A_430 = arith.addi %mul3A_2, %mul3A_429 : i32
        %dma_start3A_431 = arith.constant 0 : i32
        %dma_start3A_432 = tpu.memref_slice %arg2[%add3A_430, %dma_start3A_431] : memref<8192x1024xf32, #tpu.memory_space<hbm>> -> memref<4x1024xf32, #tpu.memory_space<hbm>>
        %dma_start3A_433 = arith.constant 0 : i32
        %dma_start3A_434 = tpu.memref_slice %arg2[%add3A_430, %dma_start3A_433] : memref<8192x1024xf32, #tpu.memory_space<hbm>> -> memref<4x1024xf32, #tpu.memory_space<hbm>>
        tpu.enqueue_dma source(%dma_start3A_434 : memref<4x1024xf32, #tpu.memory_space<hbm>>) target(%arg10 : memref<4x1024xf32, #tpu.memory_space<vmem>>) target_semaphore(%arg34 : memref<!tpu.dma_semaphore, #tpu.memory_space<semaphore_mem>>)
        %dma_start3A_435 = arith.constant 0 : i32
        %dma_start3A_436 = tpu.memref_slice %arg3[%add3A_430, %dma_start3A_435] : memref<8192x1024xf32, #tpu.memory_space<hbm>> -> memref<4x1024xf32, #tpu.memory_space<hbm>>
        %dma_start3A_437 = arith.constant 0 : i32
        %dma_start3A_438 = tpu.memref_slice %arg3[%add3A_430, %dma_start3A_437] : memref<8192x1024xf32, #tpu.memory_space<hbm>> -> memref<4x1024xf32, #tpu.memory_space<hbm>>
        tpu.enqueue_dma source(%dma_start3A_438 : memref<4x1024xf32, #tpu.memory_space<hbm>>) target(%arg18 : memref<4x1024xf32, #tpu.memory_space<vmem>>) target_semaphore(%arg34 : memref<!tpu.dma_semaphore, #tpu.memory_space<semaphore_mem>>)
      } else {
      }
      %mul3A_352 = arith.constant 8 : i32
      %mul3A_353 = arith.muli %scan3A_134, %mul3A_352 : i32
      %add3A_354 = arith.constant 6 : i32
      %add3A_355 = arith.addi %mul3A_353, %add3A_354 : i32
      %mul3A_356 = arith.constant 4 : i32
      %mul3A_357 = arith.muli %add3A_355, %mul3A_356 : i32
      %add3A_358 = arith.addi %mul3A_2, %mul3A_357 : i32
      %dma_wait3A_359 = arith.constant 0 : i32
      %dma_wait3A_360 = tpu.memref_slice %arg2[%add3A_358, %dma_wait3A_359] : memref<8192x1024xf32, #tpu.memory_space<hbm>> -> memref<4x1024xf32, #tpu.memory_space<hbm>>
      %dma_wait3A_361 = arith.constant 0 : i32
      %dma_wait3A_362 = tpu.memref_slice %arg2[%add3A_358, %dma_wait3A_361] : memref<8192x1024xf32, #tpu.memory_space<hbm>> -> memref<4x1024xf32, #tpu.memory_space<hbm>>
      tpu.wait_dma2 semaphore(%arg35 : memref<!tpu.dma_semaphore, #tpu.memory_space<semaphore_mem>>) src(%dma_wait3A_362 : memref<4x1024xf32, #tpu.memory_space<hbm>>) dst(%arg11 : memref<4x1024xf32, #tpu.memory_space<vmem>>)
      %dma_wait3A_363 = arith.constant 0 : i32
      %dma_wait3A_364 = tpu.memref_slice %arg3[%add3A_358, %dma_wait3A_363] : memref<8192x1024xf32, #tpu.memory_space<hbm>> -> memref<4x1024xf32, #tpu.memory_space<hbm>>
      %dma_wait3A_365 = arith.constant 0 : i32
      %dma_wait3A_366 = tpu.memref_slice %arg3[%add3A_358, %dma_wait3A_365] : memref<8192x1024xf32, #tpu.memory_space<hbm>> -> memref<4x1024xf32, #tpu.memory_space<hbm>>
      tpu.wait_dma2 semaphore(%arg35 : memref<!tpu.dma_semaphore, #tpu.memory_space<semaphore_mem>>) src(%dma_wait3A_366 : memref<4x1024xf32, #tpu.memory_space<hbm>>) dst(%arg19 : memref<4x1024xf32, #tpu.memory_space<vmem>>)
      %gt3A_367 = arith.constant 0 : i32
      %gt3A_368 = arith.cmpi sgt, %scan3A_134, %gt3A_367 : i32
      %convert_element_type3A_369 = arith.extui %gt3A_368 : i1 to i32
      %cond3A_370 = arith.constant 0 : i32
      %cond3A_371 = arith.cmpi ne, %convert_element_type3A_369, %cond3A_370 : i32
      scf.if %cond3A_371 {
        %sub3A = arith.constant 8 : i32
        %sub3A_426 = arith.subi %add3A_355, %sub3A : i32
        %mul3A_427 = arith.constant 4 : i32
        %mul3A_428 = arith.muli %sub3A_426, %mul3A_427 : i32
        %add3A_429 = arith.addi %mul3A_2, %mul3A_428 : i32
        %dma_wait3A_430 = arith.constant 0 : i32
        %dma_wait3A_431 = tpu.memref_slice %arg4[%add3A_429, %dma_wait3A_430] : memref<8192x1024xf32, #tpu.memory_space<hbm>> -> memref<4x1024xf32, #tpu.memory_space<hbm>>
        %dma_wait3A_432 = arith.constant 0 : i32
        %dma_wait3A_433 = tpu.memref_slice %arg4[%add3A_429, %dma_wait3A_432] : memref<8192x1024xf32, #tpu.memory_space<hbm>> -> memref<4x1024xf32, #tpu.memory_space<hbm>>
        tpu.wait_dma2 semaphore(%arg43 : memref<!tpu.dma_semaphore, #tpu.memory_space<semaphore_mem>>) src(%arg27 : memref<4x1024xf32, #tpu.memory_space<vmem>>) dst(%dma_wait3A_433 : memref<4x1024xf32, #tpu.memory_space<hbm>>)
      } else {
      }
      %parallel_loop3A_372 = arith.constant 0 : i32
      %parallel_loop3A_373 = arith.constant 256 : i32
      %parallel_loop3A_374 = arith.constant 1 : i32
      scf.for %parallel_loop3A_426 = %parallel_loop3A_372 to %parallel_loop3A_373 step %parallel_loop3A_374  : i32 {
        %parallel_loop3A_427 = arith.constant 6 : i32
        %parallel_loop3A_428 = arith.shrui %parallel_loop3A_426, %parallel_loop3A_427 : i32
        %parallel_loop3A_429 = arith.constant 63 : i32
        %parallel_loop3A_430 = arith.andi %parallel_loop3A_426, %parallel_loop3A_429 : i32
        %parallel_loop3A_431 = arith.constant 4 : i32
        %parallel_loop3A_432 = arith.shli %parallel_loop3A_430, %parallel_loop3A_431 : i32
        %parallel_loop3A_433 = tpu.assume_multiple %parallel_loop3A_432, 16 : i32
        %parallel_loop3A_434 = arith.index_cast %parallel_loop3A_428 : i32 to index
        %parallel_loop3A_435 = arith.index_cast %parallel_loop3A_433 : i32 to index
        %parallel_loop3A_436 = tpu.vector_load %arg11[%parallel_loop3A_434, %parallel_loop3A_435] {strides = array<i32>} : memref<4x1024xf32, #tpu.memory_space<vmem>>, vector<1x16xf32>,
        %parallel_loop3A_437 = vector.shape_cast %parallel_loop3A_436 : vector<1x16xf32> to vector<16xf32>
        %parallel_loop3A_438 = arith.index_cast %parallel_loop3A_428 : i32 to index
        %parallel_loop3A_439 = arith.index_cast %parallel_loop3A_433 : i32 to index
        %parallel_loop3A_440 = tpu.vector_load %arg19[%parallel_loop3A_438, %parallel_loop3A_439] {strides = array<i32>} : memref<4x1024xf32, #tpu.memory_space<vmem>>, vector<1x16xf32>,
        %parallel_loop3A_441 = vector.shape_cast %parallel_loop3A_440 : vector<1x16xf32> to vector<16xf32>
        %parallel_loop3A_442 = arith.addf %parallel_loop3A_437, %parallel_loop3A_441 : vector<16xf32>
        %parallel_loop3A_443 = arith.index_cast %parallel_loop3A_428 : i32 to index
        %parallel_loop3A_444 = arith.index_cast %parallel_loop3A_433 : i32 to index
        %parallel_loop3A_445 = tpu.vector_load %arg27[%parallel_loop3A_443, %parallel_loop3A_444] {strides = array<i32>} : memref<4x1024xf32, #tpu.memory_space<vmem>>, vector<1x16xf32>,
        %parallel_loop3A_446 = vector.shape_cast %parallel_loop3A_445 : vector<1x16xf32> to vector<16xf32>
        %parallel_loop3A_447 = vector.shape_cast %parallel_loop3A_442 : vector<16xf32> to vector<1x16xf32>
        tpu.vector_store %arg27[%parallel_loop3A_443, %parallel_loop3A_444], %parallel_loop3A_447 {strides = array<i32>} : memref<4x1024xf32, #tpu.memory_space<vmem>>, vector<1x16xf32>,
      } {sc.loop_unroll_factor = 8 : i64, sc.parallel_access}
      %mul3A_375 = arith.constant 4 : i32
      %mul3A_376 = arith.muli %add3A_355, %mul3A_375 : i32
      %add3A_377 = arith.addi %mul3A_2, %mul3A_376 : i32
      %dma_start3A_378 = arith.constant 0 : i32
      %dma_start3A_379 = tpu.memref_slice %arg4[%add3A_377, %dma_start3A_378] : memref<8192x1024xf32, #tpu.memory_space<hbm>> -> memref<4x1024xf32, #tpu.memory_space<hbm>>
      %dma_start3A_380 = arith.constant 0 : i32
      %dma_start3A_381 = tpu.memref_slice %arg4[%add3A_377, %dma_start3A_380] : memref<8192x1024xf32, #tpu.memory_space<hbm>> -> memref<4x1024xf32, #tpu.memory_space<hbm>>
      tpu.enqueue_dma source(%arg27 : memref<4x1024xf32, #tpu.memory_space<vmem>>) target(%dma_start3A_381 : memref<4x1024xf32, #tpu.memory_space<hbm>>) target_semaphore(%arg43 : memref<!tpu.dma_semaphore, #tpu.memory_space<semaphore_mem>>)
      %add3A_382 = arith.constant 8 : i32
      %add3A_383 = arith.addi %add3A_355, %add3A_382 : i32
      %lt3A_384 = arith.constant 64 : i32
      %lt3A_385 = arith.cmpi slt, %add3A_383, %lt3A_384 : i32
      %convert_element_type3A_386 = arith.extui %lt3A_385 : i1 to i32
      %cond3A_387 = arith.constant 0 : i32
      %cond3A_388 = arith.cmpi ne, %convert_element_type3A_386, %cond3A_387 : i32
      scf.if %cond3A_388 {
        %add3A_426 = arith.constant 8 : i32
        %add3A_427 = arith.addi %add3A_355, %add3A_426 : i32
        %mul3A_428 = arith.constant 4 : i32
        %mul3A_429 = arith.muli %add3A_427, %mul3A_428 : i32
        %add3A_430 = arith.addi %mul3A_2, %mul3A_429 : i32
        %dma_start3A_431 = arith.constant 0 : i32
        %dma_start3A_432 = tpu.memref_slice %arg2[%add3A_430, %dma_start3A_431] : memref<8192x1024xf32, #tpu.memory_space<hbm>> -> memref<4x1024xf32, #tpu.memory_space<hbm>>
        %dma_start3A_433 = arith.constant 0 : i32
        %dma_start3A_434 = tpu.memref_slice %arg2[%add3A_430, %dma_start3A_433] : memref<8192x1024xf32, #tpu.memory_space<hbm>> -> memref<4x1024xf32, #tpu.memory_space<hbm>>
        tpu.enqueue_dma source(%dma_start3A_434 : memref<4x1024xf32, #tpu.memory_space<hbm>>) target(%arg11 : memref<4x1024xf32, #tpu.memory_space<vmem>>) target_semaphore(%arg35 : memref<!tpu.dma_semaphore, #tpu.memory_space<semaphore_mem>>)
        %dma_start3A_435 = arith.constant 0 : i32
        %dma_start3A_436 = tpu.memref_slice %arg3[%add3A_430, %dma_start3A_435] : memref<8192x1024xf32, #tpu.memory_space<hbm>> -> memref<4x1024xf32, #tpu.memory_space<hbm>>
        %dma_start3A_437 = arith.constant 0 : i32
        %dma_start3A_438 = tpu.memref_slice %arg3[%add3A_430, %dma_start3A_437] : memref<8192x1024xf32, #tpu.memory_space<hbm>> -> memref<4x1024xf32, #tpu.memory_space<hbm>>
        tpu.enqueue_dma source(%dma_start3A_438 : memref<4x1024xf32, #tpu.memory_space<hbm>>) target(%arg19 : memref<4x1024xf32, #tpu.memory_space<vmem>>) target_semaphore(%arg35 : memref<!tpu.dma_semaphore, #tpu.memory_space<semaphore_mem>>)
      } else {
      }
      %mul3A_389 = arith.constant 8 : i32
      %mul3A_390 = arith.muli %scan3A_134, %mul3A_389 : i32
      %add3A_391 = arith.constant 7 : i32
      %add3A_392 = arith.addi %mul3A_390, %add3A_391 : i32
      %mul3A_393 = arith.constant 4 : i32
      %mul3A_394 = arith.muli %add3A_392, %mul3A_393 : i32
      %add3A_395 = arith.addi %mul3A_2, %mul3A_394 : i32
      %dma_wait3A_396 = arith.constant 0 : i32
      %dma_wait3A_397 = tpu.memref_slice %arg2[%add3A_395, %dma_wait3A_396] : memref<8192x1024xf32, #tpu.memory_space<hbm>> -> memref<4x1024xf32, #tpu.memory_space<hbm>>
      %dma_wait3A_398 = arith.constant 0 : i32
      %dma_wait3A_399 = tpu.memref_slice %arg2[%add3A_395, %dma_wait3A_398] : memref<8192x1024xf32, #tpu.memory_space<hbm>> -> memref<4x1024xf32, #tpu.memory_space<hbm>>
      tpu.wait_dma2 semaphore(%arg36 : memref<!tpu.dma_semaphore, #tpu.memory_space<semaphore_mem>>) src(%dma_wait3A_399 : memref<4x1024xf32, #tpu.memory_space<hbm>>) dst(%arg12 : memref<4x1024xf32, #tpu.memory_space<vmem>>)
      %dma_wait3A_400 = arith.constant 0 : i32
      %dma_wait3A_401 = tpu.memref_slice %arg3[%add3A_395, %dma_wait3A_400] : memref<8192x1024xf32, #tpu.memory_space<hbm>> -> memref<4x1024xf32, #tpu.memory_space<hbm>>
      %dma_wait3A_402 = arith.constant 0 : i32
      %dma_wait3A_403 = tpu.memref_slice %arg3[%add3A_395, %dma_wait3A_402] : memref<8192x1024xf32, #tpu.memory_space<hbm>> -> memref<4x1024xf32, #tpu.memory_space<hbm>>
      tpu.wait_dma2 semaphore(%arg36 : memref<!tpu.dma_semaphore, #tpu.memory_space<semaphore_mem>>) src(%dma_wait3A_403 : memref<4x1024xf32, #tpu.memory_space<hbm>>) dst(%arg20 : memref<4x1024xf32, #tpu.memory_space<vmem>>)
      %gt3A_404 = arith.constant 0 : i32
      %gt3A_405 = arith.cmpi sgt, %scan3A_134, %gt3A_404 : i32
      %convert_element_type3A_406 = arith.extui %gt3A_405 : i1 to i32
      %cond3A_407 = arith.constant 0 : i32
      %cond3A_408 = arith.cmpi ne, %convert_element_type3A_406, %cond3A_407 : i32
      scf.if %cond3A_408 {
        %sub3A = arith.constant 8 : i32
        %sub3A_426 = arith.subi %add3A_392, %sub3A : i32
        %mul3A_427 = arith.constant 4 : i32
        %mul3A_428 = arith.muli %sub3A_426, %mul3A_427 : i32
        %add3A_429 = arith.addi %mul3A_2, %mul3A_428 : i32
        %dma_wait3A_430 = arith.constant 0 : i32
        %dma_wait3A_431 = tpu.memref_slice %arg4[%add3A_429, %dma_wait3A_430] : memref<8192x1024xf32, #tpu.memory_space<hbm>> -> memref<4x1024xf32, #tpu.memory_space<hbm>>
        %dma_wait3A_432 = arith.constant 0 : i32
        %dma_wait3A_433 = tpu.memref_slice %arg4[%add3A_429, %dma_wait3A_432] : memref<8192x1024xf32, #tpu.memory_space<hbm>> -> memref<4x1024xf32, #tpu.memory_space<hbm>>
        tpu.wait_dma2 semaphore(%arg44 : memref<!tpu.dma_semaphore, #tpu.memory_space<semaphore_mem>>) src(%arg28 : memref<4x1024xf32, #tpu.memory_space<vmem>>) dst(%dma_wait3A_433 : memref<4x1024xf32, #tpu.memory_space<hbm>>)
      } else {
      }
      %parallel_loop3A_409 = arith.constant 0 : i32
      %parallel_loop3A_410 = arith.constant 256 : i32
      %parallel_loop3A_411 = arith.constant 1 : i32
      scf.for %parallel_loop3A_426 = %parallel_loop3A_409 to %parallel_loop3A_410 step %parallel_loop3A_411  : i32 {
        %parallel_loop3A_427 = arith.constant 6 : i32
        %parallel_loop3A_428 = arith.shrui %parallel_loop3A_426, %parallel_loop3A_427 : i32
        %parallel_loop3A_429 = arith.constant 63 : i32
        %parallel_loop3A_430 = arith.andi %parallel_loop3A_426, %parallel_loop3A_429 : i32
        %parallel_loop3A_431 = arith.constant 4 : i32
        %parallel_loop3A_432 = arith.shli %parallel_loop3A_430, %parallel_loop3A_431 : i32
        %parallel_loop3A_433 = tpu.assume_multiple %parallel_loop3A_432, 16 : i32
        %parallel_loop3A_434 = arith.index_cast %parallel_loop3A_428 : i32 to index
        %parallel_loop3A_435 = arith.index_cast %parallel_loop3A_433 : i32 to index
        %parallel_loop3A_436 = tpu.vector_load %arg12[%parallel_loop3A_434, %parallel_loop3A_435] {strides = array<i32>} : memref<4x1024xf32, #tpu.memory_space<vmem>>, vector<1x16xf32>,
        %parallel_loop3A_437 = vector.shape_cast %parallel_loop3A_436 : vector<1x16xf32> to vector<16xf32>
        %parallel_loop3A_438 = arith.index_cast %parallel_loop3A_428 : i32 to index
        %parallel_loop3A_439 = arith.index_cast %parallel_loop3A_433 : i32 to index
        %parallel_loop3A_440 = tpu.vector_load %arg20[%parallel_loop3A_438, %parallel_loop3A_439] {strides = array<i32>} : memref<4x1024xf32, #tpu.memory_space<vmem>>, vector<1x16xf32>,
        %parallel_loop3A_441 = vector.shape_cast %parallel_loop3A_440 : vector<1x16xf32> to vector<16xf32>
        %parallel_loop3A_442 = arith.addf %parallel_loop3A_437, %parallel_loop3A_441 : vector<16xf32>
        %parallel_loop3A_443 = arith.index_cast %parallel_loop3A_428 : i32 to index
        %parallel_loop3A_444 = arith.index_cast %parallel_loop3A_433 : i32 to index
        %parallel_loop3A_445 = tpu.vector_load %arg28[%parallel_loop3A_443, %parallel_loop3A_444] {strides = array<i32>} : memref<4x1024xf32, #tpu.memory_space<vmem>>, vector<1x16xf32>,
        %parallel_loop3A_446 = vector.shape_cast %parallel_loop3A_445 : vector<1x16xf32> to vector<16xf32>
        %parallel_loop3A_447 = vector.shape_cast %parallel_loop3A_442 : vector<16xf32> to vector<1x16xf32>
        tpu.vector_store %arg28[%parallel_loop3A_443, %parallel_loop3A_444], %parallel_loop3A_447 {strides = array<i32>} : memref<4x1024xf32, #tpu.memory_space<vmem>>, vector<1x16xf32>,
      } {sc.loop_unroll_factor = 8 : i64, sc.parallel_access}
      %mul3A_412 = arith.constant 4 : i32
      %mul3A_413 = arith.muli %add3A_392, %mul3A_412 : i32
      %add3A_414 = arith.addi %mul3A_2, %mul3A_413 : i32
      %dma_start3A_415 = arith.constant 0 : i32
      %dma_start3A_416 = tpu.memref_slice %arg4[%add3A_414, %dma_start3A_415] : memref<8192x1024xf32, #tpu.memory_space<hbm>> -> memref<4x1024xf32, #tpu.memory_space<hbm>>
      %dma_start3A_417 = arith.constant 0 : i32
      %dma_start3A_418 = tpu.memref_slice %arg4[%add3A_414, %dma_start3A_417] : memref<8192x1024xf32, #tpu.memory_space<hbm>> -> memref<4x1024xf32, #tpu.memory_space<hbm>>
      tpu.enqueue_dma source(%arg28 : memref<4x1024xf32, #tpu.memory_space<vmem>>) target(%dma_start3A_418 : memref<4x1024xf32, #tpu.memory_space<hbm>>) target_semaphore(%arg44 : memref<!tpu.dma_semaphore, #tpu.memory_space<semaphore_mem>>)
      %add3A_419 = arith.constant 8 : i32
      %add3A_420 = arith.addi %add3A_392, %add3A_419 : i32
      %lt3A_421 = arith.constant 64 : i32
      %lt3A_422 = arith.cmpi slt, %add3A_420, %lt3A_421 : i32
      %convert_element_type3A_423 = arith.extui %lt3A_422 : i1 to i32
      %cond3A_424 = arith.constant 0 : i32
      %cond3A_425 = arith.cmpi ne, %convert_element_type3A_423, %cond3A_424 : i32
      scf.if %cond3A_425 {
        %add3A_426 = arith.constant 8 : i32
        %add3A_427 = arith.addi %add3A_392, %add3A_426 : i32
        %mul3A_428 = arith.constant 4 : i32
        %mul3A_429 = arith.muli %add3A_427, %mul3A_428 : i32
        %add3A_430 = arith.addi %mul3A_2, %mul3A_429 : i32
        %dma_start3A_431 = arith.constant 0 : i32
        %dma_start3A_432 = tpu.memref_slice %arg2[%add3A_430, %dma_start3A_431] : memref<8192x1024xf32, #tpu.memory_space<hbm>> -> memref<4x1024xf32, #tpu.memory_space<hbm>>
        %dma_start3A_433 = arith.constant 0 : i32
        %dma_start3A_434 = tpu.memref_slice %arg2[%add3A_430, %dma_start3A_433] : memref<8192x1024xf32, #tpu.memory_space<hbm>> -> memref<4x1024xf32, #tpu.memory_space<hbm>>
        tpu.enqueue_dma source(%dma_start3A_434 : memref<4x1024xf32, #tpu.memory_space<hbm>>) target(%arg12 : memref<4x1024xf32, #tpu.memory_space<vmem>>) target_semaphore(%arg36 : memref<!tpu.dma_semaphore, #tpu.memory_space<semaphore_mem>>)
        %dma_start3A_435 = arith.constant 0 : i32
        %dma_start3A_436 = tpu.memref_slice %arg3[%add3A_430, %dma_start3A_435] : memref<8192x1024xf32, #tpu.memory_space<hbm>> -> memref<4x1024xf32, #tpu.memory_space<hbm>>
        %dma_start3A_437 = arith.constant 0 : i32
        %dma_start3A_438 = tpu.memref_slice %arg3[%add3A_430, %dma_start3A_437] : memref<8192x1024xf32, #tpu.memory_space<hbm>> -> memref<4x1024xf32, #tpu.memory_space<hbm>>
        tpu.enqueue_dma source(%dma_start3A_438 : memref<4x1024xf32, #tpu.memory_space<hbm>>) target(%arg20 : memref<4x1024xf32, #tpu.memory_space<vmem>>) target_semaphore(%arg36 : memref<!tpu.dma_semaphore, #tpu.memory_space<semaphore_mem>>)
      } else {
      }
    }
    %scan3A_86 = arith.constant 8 : i32
    %add3A_87 = arith.constant 224 : i32
    %add3A_88 = arith.addi %mul3A_2, %add3A_87 : i32
    %dma_wait3A = arith.constant 0 : i32
    %dma_wait3A_89 = tpu.memref_slice %arg4[%add3A_88, %dma_wait3A] : memref<8192x1024xf32, #tpu.memory_space<hbm>> -> memref<4x1024xf32, #tpu.memory_space<hbm>>
    %dma_wait3A_90 = arith.constant 0 : i32
    %dma_wait3A_91 = tpu.memref_slice %arg4[%add3A_88, %dma_wait3A_90] : memref<8192x1024xf32, #tpu.memory_space<hbm>> -> memref<4x1024xf32, #tpu.memory_space<hbm>>
    tpu.wait_dma2 semaphore(%arg37 : memref<!tpu.dma_semaphore, #tpu.memory_space<semaphore_mem>>) src(%arg21 : memref<4x1024xf32, #tpu.memory_space<vmem>>) dst(%dma_wait3A_91 : memref<4x1024xf32, #tpu.memory_space<hbm>>)
    %add3A_92 = arith.constant 228 : i32
    %add3A_93 = arith.addi %mul3A_2, %add3A_92 : i32
    %dma_wait3A_94 = arith.constant 0 : i32
    %dma_wait3A_95 = tpu.memref_slice %arg4[%add3A_93, %dma_wait3A_94] : memref<8192x1024xf32, #tpu.memory_space<hbm>> -> memref<4x1024xf32, #tpu.memory_space<hbm>>
    %dma_wait3A_96 = arith.constant 0 : i32
    %dma_wait3A_97 = tpu.memref_slice %arg4[%add3A_93, %dma_wait3A_96] : memref<8192x1024xf32, #tpu.memory_space<hbm>> -> memref<4x1024xf32, #tpu.memory_space<hbm>>
    tpu.wait_dma2 semaphore(%arg38 : memref<!tpu.dma_semaphore, #tpu.memory_space<semaphore_mem>>) src(%arg22 : memref<4x1024xf32, #tpu.memory_space<vmem>>) dst(%dma_wait3A_97 : memref<4x1024xf32, #tpu.memory_space<hbm>>)
    %add3A_98 = arith.constant 232 : i32
    %add3A_99 = arith.addi %mul3A_2, %add3A_98 : i32
    %dma_wait3A_100 = arith.constant 0 : i32
    %dma_wait3A_101 = tpu.memref_slice %arg4[%add3A_99, %dma_wait3A_100] : memref<8192x1024xf32, #tpu.memory_space<hbm>> -> memref<4x1024xf32, #tpu.memory_space<hbm>>
    %dma_wait3A_102 = arith.constant 0 : i32
    %dma_wait3A_103 = tpu.memref_slice %arg4[%add3A_99, %dma_wait3A_102] : memref<8192x1024xf32, #tpu.memory_space<hbm>> -> memref<4x1024xf32, #tpu.memory_space<hbm>>
    tpu.wait_dma2 semaphore(%arg39 : memref<!tpu.dma_semaphore, #tpu.memory_space<semaphore_mem>>) src(%arg23 : memref<4x1024xf32, #tpu.memory_space<vmem>>) dst(%dma_wait3A_103 : memref<4x1024xf32, #tpu.memory_space<hbm>>)
    %add3A_104 = arith.constant 236 : i32
    %add3A_105 = arith.addi %mul3A_2, %add3A_104 : i32
    %dma_wait3A_106 = arith.constant 0 : i32
    %dma_wait3A_107 = tpu.memref_slice %arg4[%add3A_105, %dma_wait3A_106] : memref<8192x1024xf32, #tpu.memory_space<hbm>> -> memref<4x1024xf32, #tpu.memory_space<hbm>>
    %dma_wait3A_108 = arith.constant 0 : i32
    %dma_wait3A_109 = tpu.memref_slice %arg4[%add3A_105, %dma_wait3A_108] : memref<8192x1024xf32, #tpu.memory_space<hbm>> -> memref<4x1024xf32, #tpu.memory_space<hbm>>
    tpu.wait_dma2 semaphore(%arg40 : memref<!tpu.dma_semaphore, #tpu.memory_space<semaphore_mem>>) src(%arg24 : memref<4x1024xf32, #tpu.memory_space<vmem>>) dst(%dma_wait3A_109 : memref<4x1024xf32, #tpu.memory_space<hbm>>)
    %add3A_110 = arith.constant 240 : i32
    %add3A_111 = arith.addi %mul3A_2, %add3A_110 : i32
    %dma_wait3A_112 = arith.constant 0 : i32
    %dma_wait3A_113 = tpu.memref_slice %arg4[%add3A_111, %dma_wait3A_112] : memref<8192x1024xf32, #tpu.memory_space<hbm>> -> memref<4x1024xf32, #tpu.memory_space<hbm>>
    %dma_wait3A_114 = arith.constant 0 : i32
    %dma_wait3A_115 = tpu.memref_slice %arg4[%add3A_111, %dma_wait3A_114] : memref<8192x1024xf32, #tpu.memory_space<hbm>> -> memref<4x1024xf32, #tpu.memory_space<hbm>>
    tpu.wait_dma2 semaphore(%arg41 : memref<!tpu.dma_semaphore, #tpu.memory_space<semaphore_mem>>) src(%arg25 : memref<4x1024xf32, #tpu.memory_space<vmem>>) dst(%dma_wait3A_115 : memref<4x1024xf32, #tpu.memory_space<hbm>>)
    %add3A_116 = arith.constant 244 : i32
    %add3A_117 = arith.addi %mul3A_2, %add3A_116 : i32
    %dma_wait3A_118 = arith.constant 0 : i32
    %dma_wait3A_119 = tpu.memref_slice %arg4[%add3A_117, %dma_wait3A_118] : memref<8192x1024xf32, #tpu.memory_space<hbm>> -> memref<4x1024xf32, #tpu.memory_space<hbm>>
    %dma_wait3A_120 = arith.constant 0 : i32
    %dma_wait3A_121 = tpu.memref_slice %arg4[%add3A_117, %dma_wait3A_120] : memref<8192x1024xf32, #tpu.memory_space<hbm>> -> memref<4x1024xf32, #tpu.memory_space<hbm>>
    tpu.wait_dma2 semaphore(%arg42 : memref<!tpu.dma_semaphore, #tpu.memory_space<semaphore_mem>>) src(%arg26 : memref<4x1024xf32, #tpu.memory_space<vmem>>) dst(%dma_wait3A_121 : memref<4x1024xf32, #tpu.memory_space<hbm>>)
    %add3A_122 = arith.constant 248 : i32
    %add3A_123 = arith.addi %mul3A_2, %add3A_122 : i32
    %dma_wait3A_124 = arith.constant 0 : i32
    %dma_wait3A_125 = tpu.memref_slice %arg4[%add3A_123, %dma_wait3A_124] : memref<8192x1024xf32, #tpu.memory_space<hbm>> -> memref<4x1024xf32, #tpu.memory_space<hbm>>
    %dma_wait3A_126 = arith.constant 0 : i32
    %dma_wait3A_127 = tpu.memref_slice %arg4[%add3A_123, %dma_wait3A_126] : memref<8192x1024xf32, #tpu.memory_space<hbm>> -> memref<4x1024xf32, #tpu.memory_space<hbm>>
    tpu.wait_dma2 semaphore(%arg43 : memref<!tpu.dma_semaphore, #tpu.memory_space<semaphore_mem>>) src(%arg27 : memref<4x1024xf32, #tpu.memory_space<vmem>>) dst(%dma_wait3A_127 : memref<4x1024xf32, #tpu.memory_space<hbm>>)
    %add3A_128 = arith.constant 252 : i32
    %add3A_129 = arith.addi %mul3A_2, %add3A_128 : i32
    %dma_wait3A_130 = arith.constant 0 : i32
    %dma_wait3A_131 = tpu.memref_slice %arg4[%add3A_129, %dma_wait3A_130] : memref<8192x1024xf32, #tpu.memory_space<hbm>> -> memref<4x1024xf32, #tpu.memory_space<hbm>>
    %dma_wait3A_132 = arith.constant 0 : i32
    %dma_wait3A_133 = tpu.memref_slice %arg4[%add3A_129, %dma_wait3A_132] : memref<8192x1024xf32, #tpu.memory_space<hbm>> -> memref<4x1024xf32, #tpu.memory_space<hbm>>
    tpu.wait_dma2 semaphore(%arg44 : memref<!tpu.dma_semaphore, #tpu.memory_space<semaphore_mem>>) src(%arg28 : memref<4x1024xf32, #tpu.memory_space<vmem>>) dst(%dma_wait3A_133 : memref<4x1024xf32, #tpu.memory_space<hbm>>)
    return
  }
}

</mosaic_0001>

<sc_bundles>
// kernel: kernel.3.cloned.1.call-start
scs
__scs_entry_jumppad:
0x0: {  	(pc) =	sbr.rel $0x88, $3  }
0x1: {  	(tag) =	ssettag $0x0;
	lr =	simm.s32 $0x1  }
0x2: {  	[smem:$0x3F9F] =	sst lr;
	_ =	strace $0xD0000000  }
0x3: {  	_ = 	snop  }
0x4: {  	_ = 	snop  }
0x5: {  	_ = 	snop  }
0x6: {  	_ = 	snop  }
0x7: {  	_ = 	snop  }
__scs_overlays_trampoline_lowered:
0x8: {  	[smem:$0x3FAE] =	sst s0  }
0x9: {  	[smem:$0x3FAF] =	sst s1  }
0xa: {  	[smem:$0x3FB0] =	sst s2  }
0xb: {  	[smem:$0x3FB1] =	sst s3  }
0xc: {  	[smem:$0x3FB2] =	sst s4  }
0xd: {  	[smem:$0x3FB3] =	sst s5  }
0xe: {  	[smem:$0x3FB4] =	sst s6  }
0xf: {  	[smem:$0x3FB5] =	sst s7  }
0x10: {  	[smem:$0x3FB6] =	sst s8  }
0x11: {  	[smem:$0x3FB7] =	sst s9;
	s0 =	simm.s32 @!p0 $0x0  }
0x12: {  	s1 =	sld [smem:$0x3F9D];
	s0 =	simm.s32 @p0 $0x1  }
0x13: {  	[smem:$0x3FB8] =	sst s0;
	s0 =	simm.s32 @!p1 $0x0  }
0x14: {  	s2 =	sld [smem:$0x3F9C];
	s0 =	simm.s32 @p1 $0x1  }
0x15: {  	[smem:$0x3FB9] =	sst s0;
	s0 =	simm.s32 @!p2 $0x0  }
0x16: {  	s3 =	sld [smem:$0x3FDB];
	s0 =	simm.s32 @p2 $0x1  }
0x17: {  	s4 =	simm.s32 $0x1BF5;
	[smem:$0x3FBB] =	sst s0  }
0x18: {  	s0 =	sld [smem:$0x3F9E];
	_ =	swait.ge [sflag:s4], $0x0  }
0x19: {  	s7 =	sld [smem:$0x3F9F]  }
0x1a: {  	s8 =	sadd.s32 $0xFFFFE003, lr  }
0x1b: {  	s9 =	sadd.s32 $0xFFFFFEF7, lr;
	s5 =	simm.s32 $0xFFFFFFFF;
	p2 =	slt.u32 s8, $0xFFFFF086  }
0x1c: {  	p1 =	slt.u32 s9, $0xF7A;
	s5 =	simm.s32 @!p2 $0x0  }
0x1d: {  	s5 =	simm.s32 @p1 $0x1;
	p0 =	seq.s32 s7, s2  }
0x1e: {  	s7 =	smul.u32 @!p0 $0xF7A, s2;
	p2 =	seq.s32 @!p0 s5, $0x0  }
0x1f: {  	s9 =	smul.u32 $0xF7A, s1;
	s8 =	simm.s32 @!p0 $0x1BF5;
	p2 =	por !p2, p0  }
0x20: {  	[sflag:s8] =	ssyncset.s32 @!p0 $0xFFFFF086;
	s6 =	sadd.s32 @!p0 s3, s7;
	s7 =	simm.s32 @!p0 $0x108  }
0x21: {  	s3 =	sadd.s32 s3, s9;
	s6 =	sadd.s32 @!p0 $0x88, s6;
	s7 =	simm.s32 @p2 $0x1082  }
0x22: {  	[simem:s7], [sflag:s8] =	dma.local @!p0 [hbm:s6], $0xF7A  }
0x23: {  	s9 =	sor.u32 $0xD0000000, s2;
	s6 =	simm.s32 $0x108;
	_ =	swait.ge @!p0 [sflag:s8], $0x0  }
0x24: {  	s3 =	sadd.s32 $0x88, s3;
	s6 =	simm.s32 @!p1 $0x1082;
	[sflag:s4] =	ssyncset.s32 $0xFFFFF086  }
0x25: {  	[simem:s6], [sflag:s4] =	dma.local [hbm:s3], $0xF7A  }
0x26: {  	[smem:$0x3F9F] =	sst s1;
	(tag) =	ssettag s2;
	_ =	strace s9  }
0x27: {  	s1 =	sld [smem:$0x3FAF]  }
0x28: {  	s2 =	sld [smem:$0x3FB0]  }
0x29: {  	s4 =	sld [smem:$0x3FB2]  }
0x2a: {  	p0 =	seq.s32 s5, $0x0;
	s5 =	sld [smem:$0x3FB3]  }
0x2b: {  	s6 =	sld [smem:$0x3FB4]  }
0x2c: {  	s7 =	sld [smem:$0x3FB5]  }
0x2d: {  	s3 =	simm.s32 $0x108;
	s8 =	sld [smem:$0x3FB6]  }
0x2e: {  	s3 =	simm.s32 @!p0 $0x1082;
	s9 =	sld [smem:$0x3FB7]  }
0x2f: {  	lr =	sadd.s32 s0, s3;
	s0 =	sld [smem:$0x3FAE]  }
0x30: {  	s3 =	sld [smem:$0x3FB1]  }
0x31: {  	[smem:$0x3FBA] =	sst s10  }
0x32: {  	s10 =	sld [smem:$0x3FB8];
	_ =	sdelay $0x3  }
0x33: {  	p0 =	seq.s32 s10, $0x1;
	s10 =	sld [smem:$0x3FBA];
	_ =	sdelay $0x3  }
0x34: {  	[smem:$0x3FBA] =	sst s10  }
0x35: {  	s10 =	sld [smem:$0x3FB9];
	_ =	sdelay $0x3  }
0x36: {  	p1 =	seq.s32 s10, $0x1;
	s10 =	sld [smem:$0x3FBA];
	_ =	sdelay $0x3  }
0x37: {  	[smem:$0x3FBA] =	sst s10  }
0x38: {  	s10 =	sld [smem:$0x3FBB]  }
0x39: {  	_ = 	snop;
	(pc) =	sbr.ind lr, $3  }
0x3a: {  	_ = 	snop  }
0x3b: {  	_ = 	snop  }
0x3c: {  	p2 =	seq.s32 s10, $0x1;
	s10 =	sld [smem:$0x3FBA]  }
0x3d: {  	_ =	shalt  }
0x3e: {  	_ =	shalt  }
0x3f: {  	_ =	shalt  }
0x40: {  	_ =	shalt  }
0x41: {  	_ =	shalt  }
0x42: {  	_ =	shalt  }
0x43: {  	_ =	shalt  }
0x44: {  	_ =	shalt  }
0x45: {  	_ =	shalt  }
0x46: {  	_ =	shalt  }
0x47: {  	_ =	shalt  }
0x48: {  	_ =	shalt  }
0x49: {  	_ =	shalt  }
0x4a: {  	_ =	shalt  }
0x4b: {  	_ =	shalt  }
0x4c: {  	_ =	shalt  }
0x4d: {  	_ =	shalt  }
0x4e: {  	_ =	shalt  }
0x4f: {  	_ =	shalt  }
0x50: {  	_ =	shalt  }
0x51: {  	_ =	shalt  }
0x52: {  	_ =	shalt  }
0x53: {  	_ =	shalt  }
0x54: {  	_ =	shalt  }
0x55: {  	_ =	shalt  }
0x56: {  	_ =	shalt  }
0x57: {  	_ =	shalt  }
0x58: {  	_ =	shalt  }
0x59: {  	_ =	shalt  }
0x5a: {  	_ =	shalt  }
0x5b: {  	_ =	shalt  }
0x5c: {  	_ =	shalt  }
0x5d: {  	_ =	shalt  }
0x5e: {  	_ =	shalt  }
0x5f: {  	_ =	shalt  }
0x60: {  	_ =	shalt  }
0x61: {  	_ =	shalt  }
0x62: {  	_ =	shalt  }
0x63: {  	_ =	shalt  }
0x64: {  	_ =	shalt  }
0x65: {  	_ =	shalt  }
0x66: {  	_ =	shalt  }
0x67: {  	_ =	shalt  }
0x68: {  	_ =	shalt  }
0x69: {  	_ =	shalt  }
0x6a: {  	_ =	shalt  }
0x6b: {  	_ =	shalt  }
0x6c: {  	_ =	shalt  }
0x6d: {  	_ =	shalt  }
0x6e: {  	_ =	shalt  }
0x6f: {  	_ =	shalt  }
0x70: {  	_ =	shalt  }
0x71: {  	_ =	shalt  }
0x72: {  	_ =	shalt  }
0x73: {  	_ =	shalt  }
0x74: {  	_ =	shalt  }
0x75: {  	_ =	shalt  }
0x76: {  	_ =	shalt  }
0x77: {  	_ =	shalt  }
0x78: {  	_ =	shalt  }
0x79: {  	_ =	shalt  }
0x7a: {  	_ =	shalt  }
0x7b: {  	_ =	shalt  }
0x7c: {  	_ =	shalt  }
0x7d: {  	_ =	shalt  }
0x7e: {  	_ =	shalt  }
0x7f: {  	_ =	shalt  }
0x80: {  	_ =	shalt  }
0x81: {  	_ =	shalt  }
0x82: {  	_ =	shalt  }
0x83: {  	_ =	shalt  }
0x84: {  	_ =	shalt  }
0x85: {  	_ =	shalt  }
0x86: {  	_ =	shalt  }
0x87: {  	_ =	shalt  }
.Lfunc_end0:
.L_simem_size_0:
called_computation_lowered:
.L_overlay_start_0:
0x88: {  	s2 =	sld [smem:$0x3FD9]  }
0x89: {  	s3 =	sld [smem:$0x3FFE];
	_ =	sdelay $0x1  }
0x8a: {  	s1 =	srdreg.scid  }
0x8b: {  	s0 =	sand.u32 $0x1, s1  }
0x8c: {  	s18 =	sshll.u32 s0, $0xA;
	s2 =	sadd.s32 s3, s2  }
0x8d: {  	s2 =	sadd.s32 s2, s18  }
0x8e: {  	[smem:$0x3FC6] =	sst s2  }
0x8f: {  	_ = 	snop  }
0x90: {  	s2 =	sld [smem:$0x3FC9]  }
0x91: {  	s19 =	sld [smem:$0x3FC8]  }
0x92: {  	s4 =	sld [smem:$0x3FD0];
	(tm) =	ssettm $0x1  }
0x93: {  	s5 =	sld [smem:$0x3FFB];
	_ =	sdelay $0x3  }
0x94: {  	_ =	strace s5  }
0x95: {  	s5 =	sld [smem:$0x3FFC];
	_ =	sdelay $0x3  }
0x96: {  	_ =	strace s5  }
0x97: {  	s5 =	sld [smem:$0x3FFD];
	_ =	sdelay $0x3  }
0x98: {  	_ =	strace s5  }
0x99: {  	_ =	strace $0x8FFFFFFF  }
0x9a: {  	s20 =	sld [smem:$0x3FDB];
	_ =	sdelay $0x1  }
0x9b: {  	s6 =	simm.s32 $_scs_section_size  }
0x9c: {  	s7 =	simm.s32 $_size__tile_overlayer_lowered;
	s8 =	simm.s32 $_tile_overlayer_lowered  }
0x9d: {  	s23 =	simm.s32 $0x1BFF;
	s22 =	sshll.u32 s8, $0x1;
	s5 =	sadd.s32 s6, s20  }
0x9e: {  	s9 =	simm.s32 $0x0;
	s21 =	sshll.u32 s7, $0x1;
	s7 =	sadd.s32 s22, s5  }
0x9f: {  	[timem:s9], [sflag:s23] =	dma.local [hbm:s7], s21  }
0xa0: {  	_ =	swait.ge [sflag:s23], s21  }
0xa1: {  	s6 =	ssub.s32 $0x0, s21;
	[sflag:s23] =	ssyncset.done $0x0  }
0xa2: {  	[sflag:s23] =	ssyncadd.s32 s6;
	_ =	sdelay $0x1  }
0xa3: {  	s24 =	simm.s32 $0x1B8B  }
0xa4: {  	_ =	swait.ge [sflag:s24], $0x1  }
0xa5: {  	[sflag:s24] =	ssyncset.done $0x0  }
0xa6: {  	s25 =	simm.s32 $0x1B8E;
	[sflag:s24] =	ssyncadd.s32 $0xFFFFFFFF  }
0xa7: {  	s26 =	simm.s32 $execute0_lowered;
	[smem:$0x3FD2] =	sst s25  }
0xa8: {  	s6 =	sshll.u32 s26, $0x1;
	_ =	strace $0x80000046;
	[dreg:$0x1] =	wrdreg $0xFFFFFFFF  }
0xa9: {  	s28 =	simm.s32 $_size_execute0_lowered;
	s5 =	sadd.s32 s5, s6;
	[dreg:$0x0] =	wrdreg $0x0  }
0xaa: {  	s6 =	sshll.u32 s28, $0x1;
	[dreg:$0x2] =	wrdreg s5  }
0xab: {  	[dreg:$0x3] =	wrdreg s6  }
0xac: {  	[dreg:$0x4] =	wrdreg $0xC0  }
0xad: {  	_ =	task [dreg:s9], $0x5FFFF  }
0xae: {  	[dreg:$0x1] =	wrdreg $0xFFFFFFFF  }
0xaf: {  	[dreg:$0x0] =	wrdreg $0x60  }
0xb0: {  	[dreg:$0x2] =	wrdreg s2  }
0xb1: {  	[dreg:$0x3] =	wrdreg s19  }
0xb2: {  	[dreg:$0x4] =	wrdreg s4  }
0xb3: {  	[dreg:$0x5] =	wrdreg $0x9  }
0xb4: {  	_ =	task.clear_ibuf [dreg:s9], $0x6FFFF;
	_ =	strace $0x90000046  }
0xb5: {  	s29 =	simm.s32 $0x9;
	_ =	strace $0x80000048  }
0xb6: {  	_ =	swait.ge [sflag:s29], $0x1  }
0xb7: {  	[sflag:s29] =	ssyncadd.s32 $0xFFFFFFFF  }
0xb8: {  	_ =	strace $0x90000048  }
0xb9: {  	_ =	sfence  }
0xba: {  	s30 =	sld [smem:$0x0];
	_ =	sdelay $0x2  }
0xbb: {  	s31 =	sshll.u32 s1, $0xD;
	s1 =	sshrl.u32 s1, $0x2  }
0xbc: {  	s3 =	sand.u32 $0x4000, s31;
	s1 =	sadd.s32 s1, s30  }
0xbd: {  	s0 =	sor.u32 s3, s0;
	s1 =	sshll.u32 s1, $0x11  }
0xbe: {  	s0 =	sor.u32 s1, s0  }
0xbf: {  	s0 =	sadd.s32 $0x8F2B, s0  }
0xc0: {  	[sflag:s0] =	ssyncadd.remote.s32 $0x1  }
0xc1: {  	_ =	sfence.sel $0xFFFF  }
0xc2: {  	[dreg:$0x0] =	wrdreg $0xFFFFFFFF;
	(pc) =	sbr.abs _section_cstart, $3  }
0xc3: {  	[dreg:$0x1] =	wrdreg $0xFFFFFFFF  }
0xc4: {  	_ =	task.clear_ibuf [dreg:s9], $0x2FFFF;
	_ =	strace $0x9FFFFFFF  }
0xc5: {  	(tm) =	ssettm $0x7FFFFFFF  }
tec
execute0_lowered:
.L_overlay_start_1:
0x0: {  	(tag) =	ssettag $0x1  }
0x1: {  	s1 =	rddreg [dreg:$0x0]  }
0x2: {  	s2 =	rddreg [dreg:$0x1];
	s0 =	srdreg.scid  }
0x3: {  	s3 =	rddreg [dreg:$0x2];
	s4 =	simm.s32 $0x0;
	s0 =	sand.u32 $0x1, s0  }
0x4: {  	s6 =	stileid.u32;
	[smem:$0x7FF] =	sst s4;
	s24 =	ssub.s32 $0x2, s0  }
0x5: {  	s6 =	sshll.u32 s6, $0x10;
	s0 =	sshll.u32 s0, $0xF;
	s5 =	sshrl.u32 s24, $0x1  }
0x6: {  	_ =	strace $0x80000047;
	s25 =	sor.u32 s0, s6;
	s4 =	ssub.s32 s24, s5  }
0x7: {  	s0 =	sadd.s32 s1, s25;
	s6 =	sadd.s32 s2, s25;
	s7 =	sor.u32 $0x40, s25  }
0x8: {  	s9 =	sor.u32 $0x400, s25;
	s11 =	sor.u32 $0x440, s25;
	[dreg:$0x4] =	wrdreg s0  }
0x9: {  	s13 =	sor.u32 $0x800, s25;
	s21 =	sor.u32 $0x1000, s25;
	[dreg:$0x5] =	wrdreg s6  }
0xa: {  	s15 =	sor.u32 $0x840, s25;
	s23 =	sor.u32 $0x1040, s25;
	[dreg:$0x14] =	wrdreg s21  }
0xb: {  	s17 =	sor.u32 $0xC00, s25;
	s8 =	sadd.s32 s1, s7;
	[dreg:$0x16] =	wrdreg s23  }
0xc: {  	s19 =	sor.u32 $0xC40, s25;
	s0 =	sadd.s32 s2, s7;
	[dreg:$0x6] =	wrdreg s8  }
0xd: {  	s24 =	sadd.s32 $0x40, s3;
	s10 =	sadd.s32 s1, s9;
	[dreg:$0x7] =	wrdreg s0  }
0xe: {  	s28 =	sor.u32 $0x1400, s25;
	s12 =	sadd.s32 s1, s11;
	[dreg:$0x8] =	wrdreg s10  }
0xf: {  	s29 =	sor.u32 $0x1440, s25;
	s14 =	sadd.s32 s1, s13;
	[dreg:$0xa] =	wrdreg s12  }
0x10: {  	s30 =	sor.u32 $0x1800, s25;
	s16 =	sadd.s32 s1, s15;
	[dreg:$0xc] =	wrdreg s14  }
0x11: {  	s31 =	sor.u32 $0x1840, s25;
	s18 =	sadd.s32 s1, s17;
	[dreg:$0xe] =	wrdreg s16  }
0x12: {  	s26 =	smov.u32 s25;
	s20 =	sadd.s32 s1, s19;
	[dreg:$0x10] =	wrdreg s18  }
0x13: {  	s5 =	simm.s32 $0x200;
	s22 =	smax.u32 s4, $0x1;
	[dreg:$0x12] =	wrdreg s20  }
0x14: {  	s7 =	simm.s32 $0x400;
	s0 =	sadd.s32 s2, s9;
	[dreg:$0x15] =	wrdreg s22  }
0x15: {  	s10 =	simm.s32 $0x1;
	s12 =	simm.s32 $0x2;
	s14 =	simm.s32 $0x3  }
0x16: {  	s16 =	simm.s32 $0x4;
	[dreg:$0x9] =	wrdreg s0;
	s0 =	sadd.s32 s2, s11  }
0x17: {  	s18 =	simm.s32 $0x5;
	[dreg:$0xb] =	wrdreg s0;
	s0 =	sadd.s32 s2, s13  }
.Ltmp0:
0x18: {  	[dreg:$0xd] =	wrdreg s0;
	s0 =	sadd.s32 s2, s15;
	(pc) =	sbr.rel .LBB2_1-.Ltmp0, $4  }
0x19: {  	s20 =	simm.s32 $0x6;
	[dreg:$0xf] =	wrdreg s0;
	s0 =	sadd.s32 s2, s17  }
0x1a: {  	s22 =	simm.s32 $0x7;
	[dreg:$0x11] =	wrdreg s0;
	s0 =	sadd.s32 s2, s19  }
0x1b: {  	[dreg:$0x13] =	wrdreg s0;
	s0 =	sor.u32 $0x1C00, s25;
	s25 =	sor.u32 $0x1C40, s25  }
0x1c: {  	s8 =	simm.s32 $0x8;
	s9 =	simm.s32 $0x0;
	[dreg:$0x17] =	wrdreg s25  }
.LBB2_20:
0x1d: {  	s4 =	simm.s32 $0x9  }
0x1e: {  	_ =	swait.ge [sflag:s4], $0x1000  }
0x1f: {  	[sflag:s4] =	ssyncset.done $0x0  }
0x20: {  	s13 =	simm.s32 $0xA;
	[sflag:s4] =	ssyncadd.s32 $0xFFFFF000  }
0x21: {  	_ =	swait.ge [sflag:s13], $0x1000  }
0x22: {  	[sflag:s13] =	ssyncset.done $0x0  }
0x23: {  	s15 =	simm.s32 $0xB;
	[sflag:s13] =	ssyncadd.s32 $0xFFFFF000  }
0x24: {  	_ =	swait.ge [sflag:s15], $0x1000  }
0x25: {  	[sflag:s15] =	ssyncset.done $0x0  }
0x26: {  	s17 =	simm.s32 $0xC;
	[sflag:s15] =	ssyncadd.s32 $0xFFFFF000  }
0x27: {  	_ =	swait.ge [sflag:s17], $0x1000  }
0x28: {  	[sflag:s17] =	ssyncset.done $0x0  }
0x29: {  	s19 =	simm.s32 $0xD;
	[sflag:s17] =	ssyncadd.s32 $0xFFFFF000  }
0x2a: {  	_ =	swait.ge [sflag:s19], $0x1000  }
0x2b: {  	[sflag:s19] =	ssyncset.done $0x0  }
0x2c: {  	s21 =	simm.s32 $0xE;
	[sflag:s19] =	ssyncadd.s32 $0xFFFFF000  }
0x2d: {  	_ =	swait.ge [sflag:s21], $0x1000  }
0x2e: {  	[sflag:s21] =	ssyncset.done $0x0  }
0x2f: {  	s23 =	simm.s32 $0xF;
	[sflag:s21] =	ssyncadd.s32 $0xFFFFF000  }
0x30: {  	_ =	swait.ge [sflag:s23], $0x1000  }
0x31: {  	[sflag:s23] =	ssyncset.done $0x0  }
0x32: {  	s6 =	simm.s32 $0x10;
	[sflag:s23] =	ssyncadd.s32 $0xFFFFF000  }
0x33: {  	_ =	swait.ge [sflag:s6], $0x1000  }
0x34: {  	s9 =	rddreg [dreg:$0x18]  }
0x35: {  	s25 =	rddreg [dreg:$0x15];
	s9 =	sadd.s32 $0x1, s9  }
0x36: {  	p0 =	sne.s32 s9, s25  }
.Ltmp1:
0x37: {  	_ = 	snop;
	(pc) =	sbr.rel @!p0 .LBB2_21-.Ltmp1, $3  }
0x38: {  	_ =	sdelay $0x1  }
0x39: {  	[sflag:s6] =	ssyncset.done $0x0  }
0x3a: {  	[sflag:s6] =	ssyncadd.s32 $0xFFFFF000  }
.LBB2_1:
0x3b: {  	[dreg:$0x18] =	wrdreg s9  }
0x3c: {  	s4 =	simm.s32 $0x0;
	s6 =	rddreg [dreg:$0x4]  }
0x3d: {  	[tilespmem:s4], [sflag:$0x1] =	stream.strided.gather [hbm4b:s6+s5], $0x1000, s7, s5, $0x38;
	[tilespmem:$0x18000] =	vst v63  }
0x3e: {  	s9 =	simm.s32 $0x8000;
	s6 =	rddreg [dreg:$0x5]  }
0x3f: {  	[tilespmem:s9], [sflag:$0x1] =	stream.strided.gather [hbm4b:s6+s5], $0x1000, s7, s5, $0x38;
	[tilespmem:$0x18000] =	vst v63  }
0x40: {  	s11 =	rddreg [dreg:$0x6];
	s13 =	simm.s32 $0x1000  }
0x41: {  	[tilespmem:s13], [sflag:$0x2] =	stream.strided.gather [hbm4b:s11+s5], $0x1000, s7, s5, $0x38;
	[tilespmem:$0x18000] =	vst v63  }
0x42: {  	s15 =	rddreg [dreg:$0x7];
	s17 =	simm.s32 $0x9000  }
0x43: {  	[tilespmem:s17], [sflag:$0x2] =	stream.strided.gather [hbm4b:s15+s5], $0x1000, s7, s5, $0x38;
	[tilespmem:$0x18000] =	vst v63  }
0x44: {  	s19 =	rddreg [dreg:$0x8];
	s21 =	simm.s32 $0x2000  }
0x45: {  	[tilespmem:s21], [sflag:$0x3] =	stream.strided.gather [hbm4b:s19+s5], $0x1000, s7, s5, $0x38;
	[tilespmem:$0x18000] =	vst v63  }
0x46: {  	s23 =	rddreg [dreg:$0x9];
	s25 =	simm.s32 $0xA000  }
0x47: {  	[tilespmem:s25], [sflag:$0x3] =	stream.strided.gather [hbm4b:s23+s5], $0x1000, s7, s5, $0x38;
	[tilespmem:$0x18000] =	vst v63  }
0x48: {  	s6 =	rddreg [dreg:$0xa];
	s9 =	simm.s32 $0x3000  }
0x49: {  	[tilespmem:s9], [sflag:$0x4] =	stream.strided.gather [hbm4b:s6+s5], $0x1000, s7, s5, $0x38;
	[tilespmem:$0x18000] =	vst v63  }
0x4a: {  	s11 =	rddreg [dreg:$0xb];
	s13 =	simm.s32 $0xB000  }
0x4b: {  	[tilespmem:s13], [sflag:$0x4] =	stream.strided.gather [hbm4b:s11+s5], $0x1000, s7, s5, $0x38;
	[tilespmem:$0x18000] =	vst v63  }
0x4c: {  	s15 =	rddreg [dreg:$0xc];
	s17 =	simm.s32 $0x4000  }
0x4d: {  	[tilespmem:s17], [sflag:$0x5] =	stream.strided.gather [hbm4b:s15+s5], $0x1000, s7, s5, $0x38;
	[tilespmem:$0x18000] =	vst v63  }
0x4e: {  	s19 =	rddreg [dreg:$0xd];
	s21 =	simm.s32 $0xC000  }
0x4f: {  	[tilespmem:s21], [sflag:$0x5] =	stream.strided.gather [hbm4b:s19+s5], $0x1000, s7, s5, $0x38;
	[tilespmem:$0x18000] =	vst v63  }
0x50: {  	s23 =	rddreg [dreg:$0xe];
	s25 =	simm.s32 $0x5000  }
0x51: {  	[tilespmem:s25], [sflag:$0x6] =	stream.strided.gather [hbm4b:s23+s5], $0x1000, s7, s5, $0x38;
	[tilespmem:$0x18000] =	vst v63  }
0x52: {  	s6 =	rddreg [dreg:$0xf];
	s9 =	simm.s32 $0xD000  }
0x53: {  	[tilespmem:s9], [sflag:$0x6] =	stream.strided.gather [hbm4b:s6+s5], $0x1000, s7, s5, $0x38;
	[tilespmem:$0x18000] =	vst v63  }
0x54: {  	s11 =	rddreg [dreg:$0x10];
	s13 =	simm.s32 $0x6000  }
0x55: {  	[tilespmem:s13], [sflag:$0x7] =	stream.strided.gather [hbm4b:s11+s5], $0x1000, s7, s5, $0x38;
	[tilespmem:$0x18000] =	vst v63  }
0x56: {  	s15 =	rddreg [dreg:$0x11];
	s17 =	simm.s32 $0xE000  }
0x57: {  	[tilespmem:s17], [sflag:$0x7] =	stream.strided.gather [hbm4b:s15+s5], $0x1000, s7, s5, $0x38;
	[tilespmem:$0x18000] =	vst v63  }
0x58: {  	s19 =	rddreg [dreg:$0x12];
	s21 =	simm.s32 $0x7000  }
0x59: {  	[tilespmem:s21], [sflag:$0x8] =	stream.strided.gather [hbm4b:s19+s5], $0x1000, s7, s5, $0x38;
	[tilespmem:$0x18000] =	vst v63  }
0x5a: {  	s23 =	rddreg [dreg:$0x13];
	s25 =	simm.s32 $0xF000;
	s11 =	simm.s32 $0x0  }
0x5b: {  	[tilespmem:s25], [sflag:$0x8] =	stream.strided.gather [hbm4b:s23+s5], $0x1000, s7, s5, $0x38;
	[tilespmem:$0x18000] =	vst v63  }
.LBB2_2:
0x5c: {  	_ =	swait.ge [sflag:s10], $0x1000  }
0x5d: {  	[sflag:s10] =	ssyncset.done $0x0  }
0x5e: {  	[sflag:s10] =	ssyncadd.s32 $0xFFFFF000  }
0x5f: {  	_ =	swait.ge [sflag:s10], $0x1000  }
0x60: {  	p0 =	seq.s32 s11, $0x0;
	[sflag:s10] =	ssyncset.done $0x0  }
0x61: {  	s19 =	simm.s32 $0x0;
	s9 =	simm.s32 @!p0 $0x9;
	[sflag:s10] =	ssyncadd.s32 $0xFFFFF000  }
0x62: {  	s13 =	sand.u32 $0xE00, s19;
	_ =	swait.ge @!p0 [sflag:s9], $0x1000  }
0x63: {  	s15 =	sor.u32 s13, s19;
	[sflag:s9] =	ssyncset.done @!p0 $0x0  }
0x64: {  	s23 =	sor.u32 $0x70, s15;
	[sflag:s9] =	ssyncadd.s32 @!p0 $0xFFFFF000  }
0x65: {  	s25 =	sand.u32 $0x180, s19;
	v0 =	vld [tilespmem:s23+$0x0]  }
0x66: {  	s17 =	sor.u32 s25, s13;
	v1 =	vld [tilespmem:s23+$0x8000]  }
0x67: {  	v2 =	vld [tilespmem:s17+$0x0]  }
0x68: {  	v3 =	vld [tilespmem:s17+$0x8000]  }
0x69: {  	v4 =	vld [tilespmem:s17+$0x10]  }
0x6a: {  	v5 =	vld [tilespmem:s17+$0x8010]  }
0x6b: {  	v6 =	vld [tilespmem:s17+$0x20]  }
0x6c: {  	v7 =	vld [tilespmem:s17+$0x8020]  }
0x6d: {  	v1 =	vadd.f32 v1, v0;
	v0 =	vld [tilespmem:s17+$0x30]  }
0x6e: {  	v3 =	vadd.f32 v3, v2;
	v2 =	vld [tilespmem:s17+$0x8030]  }
0x6f: {  	v4 =	vadd.f32 v5, v4;
	[tilespmem:s23+$0x10000] =	vst v1;
	v1 =	vld [tilespmem:s17+$0x40]  }
0x70: {  	s13 =	sshll.u32 s11, $0xC;
	[tilespmem:s17+$0x10000] =	vst v3;
	v3 =	vld [tilespmem:s17+$0x8040]  }
0x71: {  	s21 =	simm.s32 $0x0;
	s25 =	simm.s32 $0x200;
	s15 =	sor.u32 s26, s13;
	v5 =	vadd.f32 v7, v6;
	[tilespmem:s17+$0x10010] =	vst v4;
	v4 =	vld [tilespmem:s17+$0x50]  }
.LBB2_3:
0x72: {  	s9 =	sand.u32 $0xE00, s25;
	v6 =	vld [tilespmem:s17+$0x8050];
	s19 =	sadd.s32 $0x10, s19  }
0x73: {  	s21 =	sadd.s32 $0x8, s21;
	s4 =	sand.u32 $0x180, s19;
	s6 =	sor.u32 s9, s19;
	[tilespmem:s17+$0x10020] =	vst v5;
	v0 =	vadd.f32 v2, v0;
	v2 =	vld [tilespmem:s17+$0x60]  }
0x74: {  	p1 =	slt.u32 s21, $0xF8;
	s4 =	sor.u32 s4, s9;
	s6 =	sor.u32 $0x70, s6;
	v5 =	vld [tilespmem:s17+$0x8060]  }
0x75: {  	v7 =	vld [tilespmem:s6+$0x0];
	[tilespmem:s17+$0x10030] =	vst v0;
	v0 =	vadd.f32 v3, v1  }
0x76: {  	v1 =	vld [tilespmem:s6+$0x8000]  }
0x77: {  	v3 =	vld [tilespmem:s4+$0x0];
	[tilespmem:s17+$0x10040] =	vst v0;
	v0 =	vadd.f32 v6, v4  }
0x78: {  	v4 =	vld [tilespmem:s4+$0x8000]  }
0x79: {  	v6 =	vld [tilespmem:s4+$0x10];
	[tilespmem:s17+$0x10050] =	vst v0;
	v0 =	vadd.f32 v5, v2  }
0x7a: {  	v5 =	vld [tilespmem:s4+$0x8010]  }
0x7b: {  	v8 =	vld [tilespmem:s4+$0x20];
	v1 =	vadd.f32 v1, v7;
	[tilespmem:s17+$0x10060] =	vst v0;
	s17 =	smov.u32 s4  }
0x7c: {  	v7 =	vld [tilespmem:s17+$0x8020]  }
.Ltmp2:
0x7d: {  	v3 =	vadd.f32 v4, v3;
	v0 =	vld [tilespmem:s17+$0x30];
	[tilespmem:s6+$0x10000] =	vst v1;
	(pc) =	sbr.rel @p1 .LBB2_3-.Ltmp2, $4  }
0x7e: {  	v2 =	vld [tilespmem:s17+$0x8030]  }
0x7f: {  	[tilespmem:s17+$0x10000] =	vst v3;
	v4 =	vadd.f32 v5, v6;
	v1 =	vld [tilespmem:s17+$0x40]  }
0x80: {  	v3 =	vld [tilespmem:s17+$0x8040]  }
0x81: {  	s25 =	sadd.s32 $0x200, s25;
	[tilespmem:s17+$0x10010] =	vst v4;
	v5 =	vadd.f32 v7, v8;
	v4 =	vld [tilespmem:s17+$0x50]  }
0x82: {  	v6 =	vld [tilespmem:s17+$0x8050]  }
0x83: {  	v7 =	vld [tilespmem:s17+$0x60]  }
0x84: {  	v8 =	vld [tilespmem:s17+$0x8060];
	_ =	sdelay $0x1  }
0x85: {  	v0 =	vadd.f32 v2, v0  }
0x86: {  	[tilespmem:s17+$0x10020] =	vst v5;
	v1 =	vadd.f32 v3, v1  }
0x87: {  	[tilespmem:s17+$0x10030] =	vst v0;
	v0 =	vadd.f32 v6, v4  }
0x88: {  	[tilespmem:s17+$0x10040] =	vst v1;
	v1 =	vadd.f32 v8, v7  }
0x89: {  	[tilespmem:s17+$0x10050] =	vst v0  }
0x8a: {  	s4 =	sadd.s32 s3, s15;
	s6 =	simm.s32 $0x10000;
	[tilespmem:s17+$0x10060] =	vst v1  }
0x8b: {  	[hbm4b:s4+s5] =	stream.strided.scatter [tilespmem:s6], [sflag:$0x9], $0x1000, s7, s5, $0x38;
	[tilespmem:$0x18000] =	vst v63  }
0x8c: {  	p1 =	seq.s32 s11, $0x7;
	s4 =	rddreg [dreg:$0x14]  }
0x8d: {  	s9 =	simm.s32 @!p1 $0x200;
	s4 =	sadd.s32 @!p1 s13, s4  }
0x8e: {  	s19 =	simm.s32 @!p1 $0x0;
	s17 =	simm.s32 @!p1 $0x400;
	s6 =	sadd.s32 @!p1 s1, s4  }
0x8f: {  	[tilespmem:s19], [sflag:$0x1] =	stream.strided.gather @!p1 [hbm4b:s6+s9], $0x1000, s17, s9, $0x38;
	[tilespmem:$0x18000] =	vst v63  }
0x90: {  	s4 =	sadd.s32 @!p1 s2, s4;
	s6 =	simm.s32 @!p1 $0x8000  }
0x91: {  	[tilespmem:s6], [sflag:$0x1] =	stream.strided.gather @!p1 [hbm4b:s4+s9], $0x1000, s17, s9, $0x38;
	[tilespmem:$0x18000] =	vst v63  }
0x92: {  	_ =	swait.ge [sflag:s12], $0x1000  }
0x93: {  	[sflag:s12] =	ssyncset.done $0x0  }
0x94: {  	[sflag:s12] =	ssyncadd.s32 $0xFFFFF000  }
0x95: {  	_ =	swait.ge [sflag:s12], $0x1000  }
0x96: {  	[sflag:s12] =	ssyncset.done $0x0  }
0x97: {  	s19 =	simm.s32 $0x0;
	s4 =	simm.s32 @!p0 $0xA;
	[sflag:s12] =	ssyncadd.s32 $0xFFFFF000  }
0x98: {  	s17 =	sand.u32 $0xE00, s19;
	_ =	swait.ge @!p0 [sflag:s4], $0x1000  }
0x99: {  	s21 =	sor.u32 s17, s19;
	[sflag:s4] =	ssyncset.done @!p0 $0x0  }
0x9a: {  	s23 =	sor.u32 $0x70, s21;
	[sflag:s4] =	ssyncadd.s32 @!p0 $0xFFFFF000  }
0x9b: {  	s25 =	sand.u32 $0x180, s19;
	v0 =	vld [tilespmem:s23+$0x1000]  }
0x9c: {  	s17 =	sor.u32 s25, s17;
	v1 =	vld [tilespmem:s23+$0x9000]  }
0x9d: {  	v2 =	vld [tilespmem:s17+$0x1000]  }
0x9e: {  	v3 =	vld [tilespmem:s17+$0x9000]  }
0x9f: {  	v5 =	vld [tilespmem:s17+$0x1010]  }
0xa0: {  	v6 =	vld [tilespmem:s17+$0x9010]  }
0xa1: {  	v7 =	vld [tilespmem:s17+$0x1020]  }
0xa2: {  	v63 =	vld [tilespmem:s17+$0x9020]  }
0xa3: {  	v4 =	vld [tilespmem:s17+$0x9030];
	v1 =	vadd.f32 v1, v0  }
0xa4: {  	v0 =	vld [tilespmem:s17+$0x1030];
	v2 =	vadd.f32 v3, v2  }
0xa5: {  	v3 =	vadd.f32 v6, v5;
	[tilespmem:s23+$0x11000] =	vst v1;
	v1 =	vld [tilespmem:s17+$0x1040]  }
0xa6: {  	[tilespmem:s17+$0x11000] =	vst v2;
	v2 =	vld [tilespmem:s17+$0x9040]  }
0xa7: {  	s25 =	simm.s32 $0x200;
	s21 =	simm.s32 $0x0;
	v5 =	vadd.f32 v63, v7;
	[tilespmem:s17+$0x11010] =	vst v3;
	v3 =	vld [tilespmem:s17+$0x1050]  }
.LBB2_5:
0xa8: {  	s4 =	sand.u32 $0xE00, s25;
	v6 =	vld [tilespmem:s17+$0x9050];
	s19 =	sadd.s32 $0x10, s19  }
0xa9: {  	s21 =	sadd.s32 $0x8, s21;
	s6 =	sand.u32 $0x180, s19;
	s9 =	sor.u32 s4, s19;
	[tilespmem:s17+$0x11020] =	vst v5;
	v0 =	vadd.f32 v4, v0;
	v4 =	vld [tilespmem:s17+$0x1060]  }
0xaa: {  	p2 =	slt.u32 s21, $0xF8;
	s4 =	sor.u32 s6, s4;
	s6 =	sor.u32 $0x70, s9;
	v5 =	vld [tilespmem:s17+$0x9060]  }
0xab: {  	v7 =	vld [tilespmem:s6+$0x1000];
	[tilespmem:s17+$0x11030] =	vst v0;
	v0 =	vadd.f32 v2, v1  }
0xac: {  	v1 =	vld [tilespmem:s6+$0x9000]  }
0xad: {  	v2 =	vld [tilespmem:s4+$0x1000];
	[tilespmem:s17+$0x11040] =	vst v0;
	v0 =	vadd.f32 v6, v3  }
0xae: {  	v3 =	vld [tilespmem:s4+$0x9000]  }
0xaf: {  	v6 =	vld [tilespmem:s4+$0x1010];
	[tilespmem:s17+$0x11050] =	vst v0;
	v0 =	vadd.f32 v5, v4  }
0xb0: {  	v5 =	vld [tilespmem:s4+$0x9010]  }
0xb1: {  	v8 =	vld [tilespmem:s4+$0x1020];
	v1 =	vadd.f32 v1, v7;
	[tilespmem:s17+$0x11060] =	vst v0;
	s17 =	smov.u32 s4  }
0xb2: {  	v7 =	vld [tilespmem:s17+$0x9020]  }
.Ltmp3:
0xb3: {  	v2 =	vadd.f32 v3, v2;
	v0 =	vld [tilespmem:s17+$0x1030];
	[tilespmem:s6+$0x11000] =	vst v1;
	(pc) =	sbr.rel @p2 .LBB2_5-.Ltmp3, $4  }
0xb4: {  	v4 =	vld [tilespmem:s17+$0x9030]  }
0xb5: {  	[tilespmem:s17+$0x11000] =	vst v2;
	v3 =	vadd.f32 v5, v6;
	v1 =	vld [tilespmem:s17+$0x1040]  }
0xb6: {  	v2 =	vld [tilespmem:s17+$0x9040]  }
0xb7: {  	s25 =	sadd.s32 $0x200, s25;
	[tilespmem:s17+$0x11010] =	vst v3;
	v5 =	vadd.f32 v7, v8;
	v3 =	vld [tilespmem:s17+$0x1050]  }
0xb8: {  	v6 =	vld [tilespmem:s17+$0x9050]  }
0xb9: {  	v7 =	vld [tilespmem:s17+$0x1060]  }
0xba: {  	v8 =	vld [tilespmem:s17+$0x9060];
	_ =	sdelay $0x1  }
0xbb: {  	v0 =	vadd.f32 v4, v0  }
0xbc: {  	[tilespmem:s17+$0x11020] =	vst v5;
	v1 =	vadd.f32 v2, v1  }
0xbd: {  	[tilespmem:s17+$0x11030] =	vst v0;
	v0 =	vadd.f32 v6, v3  }
0xbe: {  	[tilespmem:s17+$0x11040] =	vst v1;
	v1 =	vadd.f32 v8, v7  }
0xbf: {  	[tilespmem:s17+$0x11050] =	vst v0  }
0xc0: {  	s4 =	sadd.s32 s15, s24;
	s6 =	simm.s32 $0x11000;
	[tilespmem:s17+$0x11060] =	vst v1  }
0xc1: {  	[hbm4b:s4+s5] =	stream.strided.scatter [tilespmem:s6], [sflag:$0xA], $0x1000, s7, s5, $0x38;
	[tilespmem:$0x18000] =	vst v63  }
0xc2: {  	s4 =	rddreg [dreg:$0x16]  }
0xc3: {  	s9 =	simm.s32 @!p1 $0x200;
	s4 =	sadd.s32 @!p1 s13, s4  }
0xc4: {  	s19 =	simm.s32 @!p1 $0x1000;
	s17 =	simm.s32 @!p1 $0x400;
	s6 =	sadd.s32 @!p1 s1, s4  }
0xc5: {  	[tilespmem:s19], [sflag:$0x2] =	stream.strided.gather @!p1 [hbm4b:s6+s9], $0x1000, s17, s9, $0x38;
	[tilespmem:$0x18000] =	vst v63  }
0xc6: {  	s4 =	sadd.s32 @!p1 s2, s4;
	s6 =	simm.s32 @!p1 $0x9000  }
0xc7: {  	[tilespmem:s6], [sflag:$0x2] =	stream.strided.gather @!p1 [hbm4b:s4+s9], $0x1000, s17, s9, $0x38;
	[tilespmem:$0x18000] =	vst v63  }
0xc8: {  	_ =	swait.ge [sflag:s14], $0x1000  }
0xc9: {  	[sflag:s14] =	ssyncset.done $0x0  }
0xca: {  	[sflag:s14] =	ssyncadd.s32 $0xFFFFF000  }
0xcb: {  	_ =	swait.ge [sflag:s14], $0x1000  }
0xcc: {  	[sflag:s14] =	ssyncset.done $0x0  }
0xcd: {  	s4 =	simm.s32 @!p0 $0xB;
	s17 =	simm.s32 $0x0;
	[sflag:s14] =	ssyncadd.s32 $0xFFFFF000  }
0xce: {  	s19 =	sand.u32 $0xE00, s17;
	_ =	swait.ge @!p0 [sflag:s4], $0x1000  }
0xcf: {  	s21 =	sor.u32 s19, s17;
	[sflag:s4] =	ssyncset.done @!p0 $0x0  }
0xd0: {  	s23 =	sor.u32 $0x70, s21;
	[sflag:s4] =	ssyncadd.s32 @!p0 $0xFFFFF000  }
0xd1: {  	s25 =	sand.u32 $0x180, s17;
	v0 =	vld [tilespmem:s23+$0x2000]  }
0xd2: {  	s19 =	sor.u32 s25, s19;
	v1 =	vld [tilespmem:s23+$0xA000]  }
0xd3: {  	v2 =	vld [tilespmem:s19+$0x2000]  }
0xd4: {  	v3 =	vld [tilespmem:s19+$0xA000]  }
0xd5: {  	v5 =	vld [tilespmem:s19+$0x2010]  }
0xd6: {  	v6 =	vld [tilespmem:s19+$0xA010]  }
0xd7: {  	v7 =	vld [tilespmem:s19+$0x2020]  }
0xd8: {  	v63 =	vld [tilespmem:s19+$0xA020]  }
0xd9: {  	v4 =	vld [tilespmem:s19+$0xA030];
	v1 =	vadd.f32 v1, v0  }
0xda: {  	v0 =	vld [tilespmem:s19+$0x2030];
	v2 =	vadd.f32 v3, v2  }
0xdb: {  	v3 =	vadd.f32 v6, v5;
	[tilespmem:s23+$0x12000] =	vst v1;
	v1 =	vld [tilespmem:s19+$0x2040]  }
0xdc: {  	[tilespmem:s19+$0x12000] =	vst v2;
	v2 =	vld [tilespmem:s19+$0xA040]  }
0xdd: {  	s25 =	simm.s32 $0x200;
	s21 =	simm.s32 $0x0;
	v5 =	vadd.f32 v63, v7;
	[tilespmem:s19+$0x12010] =	vst v3;
	v3 =	vld [tilespmem:s19+$0x2050]  }
.LBB2_7:
0xde: {  	s4 =	sand.u32 $0xE00, s25;
	v6 =	vld [tilespmem:s19+$0xA050];
	s17 =	sadd.s32 $0x10, s17  }
0xdf: {  	s21 =	sadd.s32 $0x8, s21;
	s6 =	sand.u32 $0x180, s17;
	s9 =	sor.u32 s4, s17;
	[tilespmem:s19+$0x12020] =	vst v5;
	v0 =	vadd.f32 v4, v0;
	v4 =	vld [tilespmem:s19+$0x2060]  }
0xe0: {  	p2 =	slt.u32 s21, $0xF8;
	s4 =	sor.u32 s6, s4;
	s6 =	sor.u32 $0x70, s9;
	v5 =	vld [tilespmem:s19+$0xA060]  }
0xe1: {  	v7 =	vld [tilespmem:s6+$0x2000];
	[tilespmem:s19+$0x12030] =	vst v0;
	v0 =	vadd.f32 v2, v1  }
0xe2: {  	v1 =	vld [tilespmem:s6+$0xA000]  }
0xe3: {  	v2 =	vld [tilespmem:s4+$0x2000];
	[tilespmem:s19+$0x12040] =	vst v0;
	v0 =	vadd.f32 v6, v3  }
0xe4: {  	v3 =	vld [tilespmem:s4+$0xA000]  }
0xe5: {  	v6 =	vld [tilespmem:s4+$0x2010];
	[tilespmem:s19+$0x12050] =	vst v0;
	v0 =	vadd.f32 v5, v4  }
0xe6: {  	v5 =	vld [tilespmem:s4+$0xA010]  }
0xe7: {  	v8 =	vld [tilespmem:s4+$0x2020];
	v1 =	vadd.f32 v1, v7;
	[tilespmem:s19+$0x12060] =	vst v0;
	s19 =	smov.u32 s4  }
0xe8: {  	v7 =	vld [tilespmem:s19+$0xA020]  }
.Ltmp4:
0xe9: {  	v2 =	vadd.f32 v3, v2;
	v0 =	vld [tilespmem:s19+$0x2030];
	[tilespmem:s6+$0x12000] =	vst v1;
	(pc) =	sbr.rel @p2 .LBB2_7-.Ltmp4, $4  }
0xea: {  	v4 =	vld [tilespmem:s19+$0xA030]  }
0xeb: {  	[tilespmem:s19+$0x12000] =	vst v2;
	v3 =	vadd.f32 v5, v6;
	v1 =	vld [tilespmem:s19+$0x2040]  }
0xec: {  	v2 =	vld [tilespmem:s19+$0xA040]  }
0xed: {  	s25 =	sadd.s32 $0x200, s25;
	[tilespmem:s19+$0x12010] =	vst v3;
	v5 =	vadd.f32 v7, v8;
	v3 =	vld [tilespmem:s19+$0x2050]  }
0xee: {  	v6 =	vld [tilespmem:s19+$0xA050]  }
0xef: {  	v7 =	vld [tilespmem:s19+$0x2060]  }
0xf0: {  	v8 =	vld [tilespmem:s19+$0xA060];
	_ =	sdelay $0x1  }
0xf1: {  	v0 =	vadd.f32 v4, v0  }
0xf2: {  	[tilespmem:s19+$0x12020] =	vst v5;
	v1 =	vadd.f32 v2, v1  }
0xf3: {  	[tilespmem:s19+$0x12030] =	vst v0;
	v0 =	vadd.f32 v6, v3  }
0xf4: {  	[tilespmem:s19+$0x12040] =	vst v1;
	v1 =	vadd.f32 v8, v7  }
0xf5: {  	s17 =	sor.u32 $0x400, s15;
	[tilespmem:s19+$0x12050] =	vst v0  }
0xf6: {  	s6 =	simm.s32 $0x12000;
	s4 =	sadd.s32 s3, s17;
	[tilespmem:s19+$0x12060] =	vst v1  }
0xf7: {  	[hbm4b:s4+s5] =	stream.strided.scatter [tilespmem:s6], [sflag:$0xB], $0x1000, s7, s5, $0x38;
	[tilespmem:$0x18000] =	vst v63  }
0xf8: {  	s9 =	simm.s32 @!p1 $0x200;
	s4 =	sadd.s32 @!p1 s13, s28  }
0xf9: {  	s21 =	simm.s32 @!p1 $0x2000;
	s19 =	simm.s32 @!p1 $0x400;
	s6 =	sadd.s32 @!p1 s1, s4  }
0xfa: {  	[tilespmem:s21], [sflag:$0x3] =	stream.strided.gather @!p1 [hbm4b:s6+s9], $0x1000, s19, s9, $0x38;
	[tilespmem:$0x18000] =	vst v63  }
0xfb: {  	s4 =	sadd.s32 @!p1 s2, s4;
	s6 =	simm.s32 @!p1 $0xA000  }
0xfc: {  	[tilespmem:s6], [sflag:$0x3] =	stream.strided.gather @!p1 [hbm4b:s4+s9], $0x1000, s19, s9, $0x38;
	[tilespmem:$0x18000] =	vst v63  }
0xfd: {  	_ =	swait.ge [sflag:s16], $0x1000  }
0xfe: {  	[sflag:s16] =	ssyncset.done $0x0  }
0xff: {  	[sflag:s16] =	ssyncadd.s32 $0xFFFFF000  }
0x100: {  	_ =	swait.ge [sflag:s16], $0x1000  }
0x101: {  	[sflag:s16] =	ssyncset.done $0x0  }
0x102: {  	s21 =	simm.s32 $0x0;
	s4 =	simm.s32 @!p0 $0xC;
	[sflag:s16] =	ssyncadd.s32 $0xFFFFF000  }
0x103: {  	s6 =	sand.u32 $0xE00, s21;
	_ =	swait.ge @!p0 [sflag:s4], $0x1000  }
0x104: {  	s19 =	sor.u32 s6, s21;
	[sflag:s4] =	ssyncset.done @!p0 $0x0  }
0x105: {  	s23 =	sor.u32 $0x70, s19;
	[sflag:s4] =	ssyncadd.s32 @!p0 $0xFFFFF000  }
0x106: {  	s25 =	sand.u32 $0x180, s21;
	v0 =	vld [tilespmem:s23+$0x3000]  }
0x107: {  	s19 =	sor.u32 s25, s6;
	v1 =	vld [tilespmem:s23+$0xB000]  }
0x108: {  	v2 =	vld [tilespmem:s19+$0x3000]  }
0x109: {  	v3 =	vld [tilespmem:s19+$0xB000]  }
0x10a: {  	v5 =	vld [tilespmem:s19+$0x3010]  }
0x10b: {  	v6 =	vld [tilespmem:s19+$0xB010]  }
0x10c: {  	v7 =	vld [tilespmem:s19+$0x3020]  }
0x10d: {  	v63 =	vld [tilespmem:s19+$0xB020]  }
0x10e: {  	v4 =	vld [tilespmem:s19+$0xB030];
	v1 =	vadd.f32 v1, v0  }
0x10f: {  	v0 =	vld [tilespmem:s19+$0x3030];
	v2 =	vadd.f32 v3, v2  }
0x110: {  	v3 =	vadd.f32 v6, v5;
	[tilespmem:s23+$0x13000] =	vst v1;
	v1 =	vld [tilespmem:s19+$0x3040]  }
0x111: {  	[tilespmem:s19+$0x13000] =	vst v2;
	v2 =	vld [tilespmem:s19+$0xB040]  }
0x112: {  	s9 =	simm.s32 $0x200;
	s25 =	simm.s32 $0x0;
	v5 =	vadd.f32 v63, v7;
	[tilespmem:s19+$0x13010] =	vst v3;
	v3 =	vld [tilespmem:s19+$0x3050]  }
.LBB2_9:
0x113: {  	s4 =	sand.u32 $0xE00, s9;
	v6 =	vld [tilespmem:s19+$0xB050];
	s21 =	sadd.s32 $0x10, s21  }
0x114: {  	s25 =	sadd.s32 $0x8, s25;
	s6 =	sand.u32 $0x180, s21;
	s23 =	sor.u32 s4, s21;
	[tilespmem:s19+$0x13020] =	vst v5;
	v0 =	vadd.f32 v4, v0;
	v4 =	vld [tilespmem:s19+$0x3060]  }
0x115: {  	p2 =	slt.u32 s25, $0xF8;
	s4 =	sor.u32 s6, s4;
	s6 =	sor.u32 $0x70, s23;
	v5 =	vld [tilespmem:s19+$0xB060]  }
0x116: {  	v7 =	vld [tilespmem:s6+$0x3000];
	[tilespmem:s19+$0x13030] =	vst v0;
	v0 =	vadd.f32 v2, v1  }
0x117: {  	v1 =	vld [tilespmem:s6+$0xB000]  }
0x118: {  	v2 =	vld [tilespmem:s4+$0x3000];
	[tilespmem:s19+$0x13040] =	vst v0;
	v0 =	vadd.f32 v6, v3  }
0x119: {  	v3 =	vld [tilespmem:s4+$0xB000]  }
0x11a: {  	v6 =	vld [tilespmem:s4+$0x3010];
	[tilespmem:s19+$0x13050] =	vst v0;
	v0 =	vadd.f32 v5, v4  }
0x11b: {  	v5 =	vld [tilespmem:s4+$0xB010]  }
0x11c: {  	v8 =	vld [tilespmem:s4+$0x3020];
	v1 =	vadd.f32 v1, v7;
	[tilespmem:s19+$0x13060] =	vst v0;
	s19 =	smov.u32 s4  }
0x11d: {  	v7 =	vld [tilespmem:s19+$0xB020]  }
.Ltmp5:
0x11e: {  	v2 =	vadd.f32 v3, v2;
	v0 =	vld [tilespmem:s19+$0x3030];
	[tilespmem:s6+$0x13000] =	vst v1;
	(pc) =	sbr.rel @p2 .LBB2_9-.Ltmp5, $4  }
0x11f: {  	v4 =	vld [tilespmem:s19+$0xB030]  }
0x120: {  	[tilespmem:s19+$0x13000] =	vst v2;
	v3 =	vadd.f32 v5, v6;
	v1 =	vld [tilespmem:s19+$0x3040]  }
0x121: {  	v2 =	vld [tilespmem:s19+$0xB040]  }
0x122: {  	s9 =	sadd.s32 $0x200, s9;
	[tilespmem:s19+$0x13010] =	vst v3;
	v5 =	vadd.f32 v7, v8;
	v3 =	vld [tilespmem:s19+$0x3050]  }
0x123: {  	v6 =	vld [tilespmem:s19+$0xB050]  }
0x124: {  	v7 =	vld [tilespmem:s19+$0x3060]  }
0x125: {  	v8 =	vld [tilespmem:s19+$0xB060];
	_ =	sdelay $0x1  }
0x126: {  	v0 =	vadd.f32 v4, v0  }
0x127: {  	[tilespmem:s19+$0x13020] =	vst v5;
	v1 =	vadd.f32 v2, v1  }
0x128: {  	[tilespmem:s19+$0x13030] =	vst v0;
	v0 =	vadd.f32 v6, v3  }
0x129: {  	[tilespmem:s19+$0x13040] =	vst v1;
	v1 =	vadd.f32 v8, v7  }
0x12a: {  	[tilespmem:s19+$0x13050] =	vst v0  }
0x12b: {  	s4 =	sadd.s32 s17, s24;
	s6 =	simm.s32 $0x13000;
	[tilespmem:s19+$0x13060] =	vst v1  }
0x12c: {  	[hbm4b:s4+s5] =	stream.strided.scatter [tilespmem:s6], [sflag:$0xC], $0x1000, s7, s5, $0x38;
	[tilespmem:$0x18000] =	vst v63  }
0x12d: {  	s9 =	simm.s32 @!p1 $0x200;
	s4 =	sadd.s32 @!p1 s13, s29  }
0x12e: {  	s17 =	simm.s32 @!p1 $0x400;
	s19 =	simm.s32 @!p1 $0x3000;
	s6 =	sadd.s32 @!p1 s1, s4  }
0x12f: {  	[tilespmem:s19], [sflag:$0x4] =	stream.strided.gather @!p1 [hbm4b:s6+s9], $0x1000, s17, s9, $0x38;
	[tilespmem:$0x18000] =	vst v63  }
0x130: {  	s4 =	sadd.s32 @!p1 s2, s4;
	s6 =	simm.s32 @!p1 $0xB000  }
0x131: {  	[tilespmem:s6], [sflag:$0x4] =	stream.strided.gather @!p1 [hbm4b:s4+s9], $0x1000, s17, s9, $0x38;
	[tilespmem:$0x18000] =	vst v63  }
0x132: {  	_ =	swait.ge [sflag:s18], $0x1000  }
0x133: {  	[sflag:s18] =	ssyncset.done $0x0  }
0x134: {  	[sflag:s18] =	ssyncadd.s32 $0xFFFFF000  }
0x135: {  	_ =	swait.ge [sflag:s18], $0x1000  }
0x136: {  	[sflag:s18] =	ssyncset.done $0x0  }
0x137: {  	s4 =	simm.s32 @!p0 $0xD;
	s17 =	simm.s32 $0x0;
	[sflag:s18] =	ssyncadd.s32 $0xFFFFF000  }
0x138: {  	s19 =	sand.u32 $0xE00, s17;
	_ =	swait.ge @!p0 [sflag:s4], $0x1000  }
0x139: {  	s21 =	sor.u32 s19, s17;
	[sflag:s4] =	ssyncset.done @!p0 $0x0  }
0x13a: {  	s23 =	sor.u32 $0x70, s21;
	[sflag:s4] =	ssyncadd.s32 @!p0 $0xFFFFF000  }
0x13b: {  	s25 =	sand.u32 $0x180, s17;
	v0 =	vld [tilespmem:s23+$0x4000]  }
0x13c: {  	s19 =	sor.u32 s25, s19;
	v1 =	vld [tilespmem:s23+$0xC000]  }
0x13d: {  	v2 =	vld [tilespmem:s19+$0x4000]  }
0x13e: {  	v3 =	vld [tilespmem:s19+$0xC000]  }
0x13f: {  	v5 =	vld [tilespmem:s19+$0x4010]  }
0x140: {  	v6 =	vld [tilespmem:s19+$0xC010]  }
0x141: {  	v7 =	vld [tilespmem:s19+$0x4020]  }
0x142: {  	v63 =	vld [tilespmem:s19+$0xC020]  }
0x143: {  	v4 =	vld [tilespmem:s19+$0xC030];
	v1 =	vadd.f32 v1, v0  }
0x144: {  	v0 =	vld [tilespmem:s19+$0x4030];
	v2 =	vadd.f32 v3, v2  }
0x145: {  	v3 =	vadd.f32 v6, v5;
	[tilespmem:s23+$0x14000] =	vst v1;
	v1 =	vld [tilespmem:s19+$0x4040]  }
0x146: {  	[tilespmem:s19+$0x14000] =	vst v2;
	v2 =	vld [tilespmem:s19+$0xC040]  }
0x147: {  	s9 =	simm.s32 $0x200;
	s21 =	simm.s32 $0x0;
	v5 =	vadd.f32 v63, v7;
	[tilespmem:s19+$0x14010] =	vst v3;
	v3 =	vld [tilespmem:s19+$0x4050]  }
.LBB2_11:
0x148: {  	s4 =	sand.u32 $0xE00, s9;
	v6 =	vld [tilespmem:s19+$0xC050];
	s17 =	sadd.s32 $0x10, s17  }
0x149: {  	s21 =	sadd.s32 $0x8, s21;
	s6 =	sand.u32 $0x180, s17;
	s23 =	sor.u32 s4, s17;
	[tilespmem:s19+$0x14020] =	vst v5;
	v0 =	vadd.f32 v4, v0;
	v4 =	vld [tilespmem:s19+$0x4060]  }
0x14a: {  	p2 =	slt.u32 s21, $0xF8;
	s4 =	sor.u32 s6, s4;
	s6 =	sor.u32 $0x70, s23;
	v5 =	vld [tilespmem:s19+$0xC060]  }
0x14b: {  	v7 =	vld [tilespmem:s6+$0x4000];
	[tilespmem:s19+$0x14030] =	vst v0;
	v0 =	vadd.f32 v2, v1  }
0x14c: {  	v1 =	vld [tilespmem:s6+$0xC000]  }
0x14d: {  	v2 =	vld [tilespmem:s4+$0x4000];
	[tilespmem:s19+$0x14040] =	vst v0;
	v0 =	vadd.f32 v6, v3  }
0x14e: {  	v3 =	vld [tilespmem:s4+$0xC000]  }
0x14f: {  	v6 =	vld [tilespmem:s4+$0x4010];
	[tilespmem:s19+$0x14050] =	vst v0;
	v0 =	vadd.f32 v5, v4  }
0x150: {  	v5 =	vld [tilespmem:s4+$0xC010]  }
0x151: {  	v8 =	vld [tilespmem:s4+$0x4020];
	v1 =	vadd.f32 v1, v7;
	[tilespmem:s19+$0x14060] =	vst v0;
	s19 =	smov.u32 s4  }
0x152: {  	v7 =	vld [tilespmem:s19+$0xC020]  }
.Ltmp6:
0x153: {  	v2 =	vadd.f32 v3, v2;
	v0 =	vld [tilespmem:s19+$0x4030];
	[tilespmem:s6+$0x14000] =	vst v1;
	(pc) =	sbr.rel @p2 .LBB2_11-.Ltmp6, $4  }
0x154: {  	v4 =	vld [tilespmem:s19+$0xC030]  }
0x155: {  	[tilespmem:s19+$0x14000] =	vst v2;
	v3 =	vadd.f32 v5, v6;
	v1 =	vld [tilespmem:s19+$0x4040]  }
0x156: {  	v2 =	vld [tilespmem:s19+$0xC040]  }
0x157: {  	s9 =	sadd.s32 $0x200, s9;
	[tilespmem:s19+$0x14010] =	vst v3;
	v5 =	vadd.f32 v7, v8;
	v3 =	vld [tilespmem:s19+$0x4050]  }
0x158: {  	v6 =	vld [tilespmem:s19+$0xC050]  }
0x159: {  	v7 =	vld [tilespmem:s19+$0x4060]  }
0x15a: {  	v8 =	vld [tilespmem:s19+$0xC060];
	_ =	sdelay $0x1  }
0x15b: {  	v0 =	vadd.f32 v4, v0  }
0x15c: {  	[tilespmem:s19+$0x14020] =	vst v5;
	v1 =	vadd.f32 v2, v1  }
0x15d: {  	[tilespmem:s19+$0x14030] =	vst v0;
	v0 =	vadd.f32 v6, v3  }
0x15e: {  	[tilespmem:s19+$0x14040] =	vst v1;
	v1 =	vadd.f32 v8, v7  }
0x15f: {  	s17 =	sor.u32 $0x800, s15;
	[tilespmem:s19+$0x14050] =	vst v0  }
0x160: {  	s6 =	simm.s32 $0x14000;
	s4 =	sadd.s32 s3, s17;
	[tilespmem:s19+$0x14060] =	vst v1  }
0x161: {  	[hbm4b:s4+s5] =	stream.strided.scatter [tilespmem:s6], [sflag:$0xD], $0x1000, s7, s5, $0x38;
	[tilespmem:$0x18000] =	vst v63  }
0x162: {  	s9 =	simm.s32 @!p1 $0x200;
	s4 =	sadd.s32 @!p1 s13, s30  }
0x163: {  	s21 =	simm.s32 @!p1 $0x4000;
	s19 =	simm.s32 @!p1 $0x400;
	s6 =	sadd.s32 @!p1 s1, s4  }
0x164: {  	[tilespmem:s21], [sflag:$0x5] =	stream.strided.gather @!p1 [hbm4b:s6+s9], $0x1000, s19, s9, $0x38;
	[tilespmem:$0x18000] =	vst v63  }
0x165: {  	s4 =	sadd.s32 @!p1 s2, s4;
	s6 =	simm.s32 @!p1 $0xC000  }
0x166: {  	[tilespmem:s6], [sflag:$0x5] =	stream.strided.gather @!p1 [hbm4b:s4+s9], $0x1000, s19, s9, $0x38;
	[tilespmem:$0x18000] =	vst v63  }
0x167: {  	_ =	swait.ge [sflag:s20], $0x1000  }
0x168: {  	[sflag:s20] =	ssyncset.done $0x0  }
0x169: {  	[sflag:s20] =	ssyncadd.s32 $0xFFFFF000  }
0x16a: {  	_ =	swait.ge [sflag:s20], $0x1000  }
0x16b: {  	[sflag:s20] =	ssyncset.done $0x0  }
0x16c: {  	s21 =	simm.s32 $0x0;
	s4 =	simm.s32 @!p0 $0xE;
	[sflag:s20] =	ssyncadd.s32 $0xFFFFF000  }
0x16d: {  	s6 =	sand.u32 $0xE00, s21;
	_ =	swait.ge @!p0 [sflag:s4], $0x1000  }
0x16e: {  	s19 =	sor.u32 s6, s21;
	[sflag:s4] =	ssyncset.done @!p0 $0x0  }
0x16f: {  	s23 =	sor.u32 $0x70, s19;
	[sflag:s4] =	ssyncadd.s32 @!p0 $0xFFFFF000  }
0x170: {  	s25 =	sand.u32 $0x180, s21;
	v0 =	vld [tilespmem:s23+$0x5000]  }
0x171: {  	s19 =	sor.u32 s25, s6;
	v1 =	vld [tilespmem:s23+$0xD000]  }
0x172: {  	v2 =	vld [tilespmem:s19+$0x5000]  }
0x173: {  	v3 =	vld [tilespmem:s19+$0xD000]  }
0x174: {  	v5 =	vld [tilespmem:s19+$0x5010]  }
0x175: {  	v6 =	vld [tilespmem:s19+$0xD010]  }
0x176: {  	v7 =	vld [tilespmem:s19+$0x5020]  }
0x177: {  	v63 =	vld [tilespmem:s19+$0xD020]  }
0x178: {  	v4 =	vld [tilespmem:s19+$0xD030];
	v1 =	vadd.f32 v1, v0  }
0x179: {  	v0 =	vld [tilespmem:s19+$0x5030];
	v2 =	vadd.f32 v3, v2  }
0x17a: {  	v3 =	vadd.f32 v6, v5;
	[tilespmem:s23+$0x15000] =	vst v1;
	v1 =	vld [tilespmem:s19+$0x5040]  }
0x17b: {  	[tilespmem:s19+$0x15000] =	vst v2;
	v2 =	vld [tilespmem:s19+$0xD040]  }
0x17c: {  	s9 =	simm.s32 $0x200;
	s25 =	simm.s32 $0x0;
	v5 =	vadd.f32 v63, v7;
	[tilespmem:s19+$0x15010] =	vst v3;
	v3 =	vld [tilespmem:s19+$0x5050]  }
.LBB2_13:
0x17d: {  	s4 =	sand.u32 $0xE00, s9;
	v6 =	vld [tilespmem:s19+$0xD050];
	s21 =	sadd.s32 $0x10, s21  }
0x17e: {  	s25 =	sadd.s32 $0x8, s25;
	s6 =	sand.u32 $0x180, s21;
	s23 =	sor.u32 s4, s21;
	[tilespmem:s19+$0x15020] =	vst v5;
	v0 =	vadd.f32 v4, v0;
	v4 =	vld [tilespmem:s19+$0x5060]  }
0x17f: {  	p2 =	slt.u32 s25, $0xF8;
	s4 =	sor.u32 s6, s4;
	s6 =	sor.u32 $0x70, s23;
	v5 =	vld [tilespmem:s19+$0xD060]  }
0x180: {  	v7 =	vld [tilespmem:s6+$0x5000];
	[tilespmem:s19+$0x15030] =	vst v0;
	v0 =	vadd.f32 v2, v1  }
0x181: {  	v1 =	vld [tilespmem:s6+$0xD000]  }
0x182: {  	v2 =	vld [tilespmem:s4+$0x5000];
	[tilespmem:s19+$0x15040] =	vst v0;
	v0 =	vadd.f32 v6, v3  }
0x183: {  	v3 =	vld [tilespmem:s4+$0xD000]  }
0x184: {  	v6 =	vld [tilespmem:s4+$0x5010];
	[tilespmem:s19+$0x15050] =	vst v0;
	v0 =	vadd.f32 v5, v4  }
0x185: {  	v5 =	vld [tilespmem:s4+$0xD010]  }
0x186: {  	v8 =	vld [tilespmem:s4+$0x5020];
	v1 =	vadd.f32 v1, v7;
	[tilespmem:s19+$0x15060] =	vst v0;
	s19 =	smov.u32 s4  }
0x187: {  	v7 =	vld [tilespmem:s19+$0xD020]  }
.Ltmp7:
0x188: {  	v2 =	vadd.f32 v3, v2;
	v0 =	vld [tilespmem:s19+$0x5030];
	[tilespmem:s6+$0x15000] =	vst v1;
	(pc) =	sbr.rel @p2 .LBB2_13-.Ltmp7, $4  }
0x189: {  	v4 =	vld [tilespmem:s19+$0xD030]  }
0x18a: {  	[tilespmem:s19+$0x15000] =	vst v2;
	v3 =	vadd.f32 v5, v6;
	v1 =	vld [tilespmem:s19+$0x5040]  }
0x18b: {  	v2 =	vld [tilespmem:s19+$0xD040]  }
0x18c: {  	s9 =	sadd.s32 $0x200, s9;
	[tilespmem:s19+$0x15010] =	vst v3;
	v5 =	vadd.f32 v7, v8;
	v3 =	vld [tilespmem:s19+$0x5050]  }
0x18d: {  	v6 =	vld [tilespmem:s19+$0xD050]  }
0x18e: {  	v7 =	vld [tilespmem:s19+$0x5060]  }
0x18f: {  	v8 =	vld [tilespmem:s19+$0xD060];
	_ =	sdelay $0x1  }
0x190: {  	v0 =	vadd.f32 v4, v0  }
0x191: {  	[tilespmem:s19+$0x15020] =	vst v5;
	v1 =	vadd.f32 v2, v1  }
0x192: {  	[tilespmem:s19+$0x15030] =	vst v0;
	v0 =	vadd.f32 v6, v3  }
0x193: {  	[tilespmem:s19+$0x15040] =	vst v1;
	v1 =	vadd.f32 v8, v7  }
0x194: {  	[tilespmem:s19+$0x15050] =	vst v0  }
0x195: {  	s4 =	sadd.s32 s17, s24;
	s6 =	simm.s32 $0x15000;
	[tilespmem:s19+$0x15060] =	vst v1  }
0x196: {  	[hbm4b:s4+s5] =	stream.strided.scatter [tilespmem:s6], [sflag:$0xE], $0x1000, s7, s5, $0x38;
	[tilespmem:$0x18000] =	vst v63  }
0x197: {  	s9 =	simm.s32 @!p1 $0x200;
	s4 =	sadd.s32 @!p1 s13, s31  }
0x198: {  	s17 =	simm.s32 @!p1 $0x400;
	s19 =	simm.s32 @!p1 $0x5000;
	s6 =	sadd.s32 @!p1 s1, s4  }
0x199: {  	[tilespmem:s19], [sflag:$0x6] =	stream.strided.gather @!p1 [hbm4b:s6+s9], $0x1000, s17, s9, $0x38;
	[tilespmem:$0x18000] =	vst v63  }
0x19a: {  	s4 =	sadd.s32 @!p1 s2, s4;
	s6 =	simm.s32 @!p1 $0xD000  }
0x19b: {  	[tilespmem:s6], [sflag:$0x6] =	stream.strided.gather @!p1 [hbm4b:s4+s9], $0x1000, s17, s9, $0x38;
	[tilespmem:$0x18000] =	vst v63  }
0x19c: {  	_ =	swait.ge [sflag:s22], $0x1000  }
0x19d: {  	[sflag:s22] =	ssyncset.done $0x0  }
0x19e: {  	[sflag:s22] =	ssyncadd.s32 $0xFFFFF000  }
0x19f: {  	_ =	swait.ge [sflag:s22], $0x1000  }
0x1a0: {  	[sflag:s22] =	ssyncset.done $0x0  }
0x1a1: {  	s19 =	simm.s32 $0x0;
	s4 =	simm.s32 @!p0 $0xF;
	[sflag:s22] =	ssyncadd.s32 $0xFFFFF000  }
0x1a2: {  	s17 =	sand.u32 $0xE00, s19;
	_ =	swait.ge @!p0 [sflag:s4], $0x1000  }
0x1a3: {  	s21 =	sor.u32 s17, s19;
	[sflag:s4] =	ssyncset.done @!p0 $0x0  }
0x1a4: {  	s23 =	sor.u32 $0x70, s21;
	[sflag:s4] =	ssyncadd.s32 @!p0 $0xFFFFF000  }
0x1a5: {  	s25 =	sand.u32 $0x180, s19;
	v0 =	vld [tilespmem:s23+$0x6000]  }
0x1a6: {  	s17 =	sor.u32 s25, s17;
	v1 =	vld [tilespmem:s23+$0xE000]  }
0x1a7: {  	v2 =	vld [tilespmem:s17+$0x6000]  }
0x1a8: {  	v3 =	vld [tilespmem:s17+$0xE000]  }
0x1a9: {  	v5 =	vld [tilespmem:s17+$0x6010]  }
0x1aa: {  	v6 =	vld [tilespmem:s17+$0xE010]  }
0x1ab: {  	v7 =	vld [tilespmem:s17+$0x6020]  }
0x1ac: {  	v63 =	vld [tilespmem:s17+$0xE020]  }
0x1ad: {  	v4 =	vld [tilespmem:s17+$0xE030];
	v1 =	vadd.f32 v1, v0  }
0x1ae: {  	v0 =	vld [tilespmem:s17+$0x6030];
	v2 =	vadd.f32 v3, v2  }
0x1af: {  	v3 =	vadd.f32 v6, v5;
	[tilespmem:s23+$0x16000] =	vst v1;
	v1 =	vld [tilespmem:s17+$0x6040]  }
0x1b0: {  	[tilespmem:s17+$0x16000] =	vst v2;
	v2 =	vld [tilespmem:s17+$0xE040]  }
0x1b1: {  	s9 =	simm.s32 $0x200;
	s21 =	simm.s32 $0x0;
	v5 =	vadd.f32 v63, v7;
	[tilespmem:s17+$0x16010] =	vst v3;
	v3 =	vld [tilespmem:s17+$0x6050]  }
.LBB2_15:
0x1b2: {  	s4 =	sand.u32 $0xE00, s9;
	v6 =	vld [tilespmem:s17+$0xE050];
	s19 =	sadd.s32 $0x10, s19  }
0x1b3: {  	s21 =	sadd.s32 $0x8, s21;
	s6 =	sand.u32 $0x180, s19;
	s23 =	sor.u32 s4, s19;
	[tilespmem:s17+$0x16020] =	vst v5;
	v0 =	vadd.f32 v4, v0;
	v4 =	vld [tilespmem:s17+$0x6060]  }
0x1b4: {  	p2 =	slt.u32 s21, $0xF8;
	s4 =	sor.u32 s6, s4;
	s6 =	sor.u32 $0x70, s23;
	v5 =	vld [tilespmem:s17+$0xE060]  }
0x1b5: {  	v7 =	vld [tilespmem:s6+$0x6000];
	[tilespmem:s17+$0x16030] =	vst v0;
	v0 =	vadd.f32 v2, v1  }
0x1b6: {  	v1 =	vld [tilespmem:s6+$0xE000]  }
0x1b7: {  	v2 =	vld [tilespmem:s4+$0x6000];
	[tilespmem:s17+$0x16040] =	vst v0;
	v0 =	vadd.f32 v6, v3  }
0x1b8: {  	v3 =	vld [tilespmem:s4+$0xE000]  }
0x1b9: {  	v6 =	vld [tilespmem:s4+$0x6010];
	[tilespmem:s17+$0x16050] =	vst v0;
	v0 =	vadd.f32 v5, v4  }
0x1ba: {  	v5 =	vld [tilespmem:s4+$0xE010]  }
0x1bb: {  	v8 =	vld [tilespmem:s4+$0x6020];
	v1 =	vadd.f32 v1, v7;
	[tilespmem:s17+$0x16060] =	vst v0;
	s17 =	smov.u32 s4  }
0x1bc: {  	v7 =	vld [tilespmem:s17+$0xE020]  }
.Ltmp8:
0x1bd: {  	v2 =	vadd.f32 v3, v2;
	v0 =	vld [tilespmem:s17+$0x6030];
	[tilespmem:s6+$0x16000] =	vst v1;
	(pc) =	sbr.rel @p2 .LBB2_15-.Ltmp8, $4  }
0x1be: {  	v4 =	vld [tilespmem:s17+$0xE030]  }
0x1bf: {  	[tilespmem:s17+$0x16000] =	vst v2;
	v3 =	vadd.f32 v5, v6;
	v1 =	vld [tilespmem:s17+$0x6040]  }
0x1c0: {  	v2 =	vld [tilespmem:s17+$0xE040]  }
0x1c1: {  	s9 =	sadd.s32 $0x200, s9;
	[tilespmem:s17+$0x16010] =	vst v3;
	v5 =	vadd.f32 v7, v8;
	v3 =	vld [tilespmem:s17+$0x6050]  }
0x1c2: {  	v6 =	vld [tilespmem:s17+$0xE050]  }
0x1c3: {  	v7 =	vld [tilespmem:s17+$0x6060]  }
0x1c4: {  	v8 =	vld [tilespmem:s17+$0xE060];
	_ =	sdelay $0x1  }
0x1c5: {  	v0 =	vadd.f32 v4, v0  }
0x1c6: {  	[tilespmem:s17+$0x16020] =	vst v5;
	v1 =	vadd.f32 v2, v1  }
0x1c7: {  	[tilespmem:s17+$0x16030] =	vst v0;
	v0 =	vadd.f32 v6, v3  }
0x1c8: {  	[tilespmem:s17+$0x16040] =	vst v1;
	v1 =	vadd.f32 v8, v7  }
0x1c9: {  	s15 =	sor.u32 $0xC00, s15;
	[tilespmem:s17+$0x16050] =	vst v0  }
0x1ca: {  	s6 =	simm.s32 $0x16000;
	s4 =	sadd.s32 s3, s15;
	[tilespmem:s17+$0x16060] =	vst v1  }
0x1cb: {  	[hbm4b:s4+s5] =	stream.strided.scatter [tilespmem:s6], [sflag:$0xF], $0x1000, s7, s5, $0x38;
	[tilespmem:$0x18000] =	vst v63  }
0x1cc: {  	s9 =	simm.s32 @!p1 $0x200;
	s4 =	sadd.s32 @!p1 s13, s0  }
0x1cd: {  	s19 =	simm.s32 @!p1 $0x6000;
	s17 =	simm.s32 @!p1 $0x400;
	s6 =	sadd.s32 @!p1 s1, s4  }
0x1ce: {  	[tilespmem:s19], [sflag:$0x7] =	stream.strided.gather @!p1 [hbm4b:s6+s9], $0x1000, s17, s9, $0x38;
	[tilespmem:$0x18000] =	vst v63  }
0x1cf: {  	s4 =	sadd.s32 @!p1 s2, s4;
	s6 =	simm.s32 @!p1 $0xE000  }
0x1d0: {  	[tilespmem:s6], [sflag:$0x7] =	stream.strided.gather @!p1 [hbm4b:s4+s9], $0x1000, s17, s9, $0x38;
	[tilespmem:$0x18000] =	vst v63  }
0x1d1: {  	_ =	swait.ge [sflag:s8], $0x1000  }
0x1d2: {  	[sflag:s8] =	ssyncset.done $0x0  }
0x1d3: {  	[sflag:s8] =	ssyncadd.s32 $0xFFFFF000  }
0x1d4: {  	_ =	swait.ge [sflag:s8], $0x1000  }
0x1d5: {  	[sflag:s8] =	ssyncset.done $0x0  }
0x1d6: {  	s19 =	simm.s32 $0x0;
	s4 =	simm.s32 @!p0 $0x10;
	[sflag:s8] =	ssyncadd.s32 $0xFFFFF000  }
0x1d7: {  	s17 =	sand.u32 $0xE00, s19;
	_ =	swait.ge @!p0 [sflag:s4], $0x1000  }
0x1d8: {  	s21 =	sor.u32 s17, s19;
	[sflag:s4] =	ssyncset.done @!p0 $0x0  }
0x1d9: {  	s23 =	sor.u32 $0x70, s21;
	[sflag:s4] =	ssyncadd.s32 @!p0 $0xFFFFF000  }
0x1da: {  	s25 =	sand.u32 $0x180, s19;
	v0 =	vld [tilespmem:s23+$0x7000]  }
0x1db: {  	s17 =	sor.u32 s25, s17;
	v1 =	vld [tilespmem:s23+$0xF000]  }
0x1dc: {  	v2 =	vld [tilespmem:s17+$0x7000]  }
0x1dd: {  	v3 =	vld [tilespmem:s17+$0xF000]  }
0x1de: {  	v5 =	vld [tilespmem:s17+$0x7010]  }
0x1df: {  	v6 =	vld [tilespmem:s17+$0xF010]  }
0x1e0: {  	v7 =	vld [tilespmem:s17+$0x7020]  }
0x1e1: {  	v63 =	vld [tilespmem:s17+$0xF020]  }
0x1e2: {  	v4 =	vld [tilespmem:s17+$0xF030];
	v1 =	vadd.f32 v1, v0  }
0x1e3: {  	v0 =	vld [tilespmem:s17+$0x7030];
	v2 =	vadd.f32 v3, v2  }
0x1e4: {  	v3 =	vadd.f32 v6, v5;
	[tilespmem:s23+$0x17000] =	vst v1;
	v1 =	vld [tilespmem:s17+$0x7040]  }
0x1e5: {  	[tilespmem:s17+$0x17000] =	vst v2;
	v2 =	vld [tilespmem:s17+$0xF040]  }
0x1e6: {  	s9 =	simm.s32 $0x200;
	s21 =	simm.s32 $0x0;
	v5 =	vadd.f32 v63, v7;
	[tilespmem:s17+$0x17010] =	vst v3;
	v3 =	vld [tilespmem:s17+$0x7050]  }
.LBB2_17:
0x1e7: {  	s4 =	sand.u32 $0xE00, s9;
	v6 =	vld [tilespmem:s17+$0xF050];
	s19 =	sadd.s32 $0x10, s19  }
0x1e8: {  	s21 =	sadd.s32 $0x8, s21;
	s6 =	sand.u32 $0x180, s19;
	s23 =	sor.u32 s4, s19;
	[tilespmem:s17+$0x17020] =	vst v5;
	v0 =	vadd.f32 v4, v0;
	v4 =	vld [tilespmem:s17+$0x7060]  }
0x1e9: {  	p0 =	slt.u32 s21, $0xF8;
	s4 =	sor.u32 s6, s4;
	s6 =	sor.u32 $0x70, s23;
	v5 =	vld [tilespmem:s17+$0xF060]  }
0x1ea: {  	v7 =	vld [tilespmem:s6+$0x7000];
	[tilespmem:s17+$0x17030] =	vst v0;
	v0 =	vadd.f32 v2, v1  }
0x1eb: {  	v1 =	vld [tilespmem:s6+$0xF000]  }
0x1ec: {  	v2 =	vld [tilespmem:s4+$0x7000];
	[tilespmem:s17+$0x17040] =	vst v0;
	v0 =	vadd.f32 v6, v3  }
0x1ed: {  	v3 =	vld [tilespmem:s4+$0xF000]  }
0x1ee: {  	v6 =	vld [tilespmem:s4+$0x7010];
	[tilespmem:s17+$0x17050] =	vst v0;
	v0 =	vadd.f32 v5, v4  }
0x1ef: {  	v5 =	vld [tilespmem:s4+$0xF010]  }
0x1f0: {  	v8 =	vld [tilespmem:s4+$0x7020];
	v1 =	vadd.f32 v1, v7;
	[tilespmem:s17+$0x17060] =	vst v0;
	s17 =	smov.u32 s4  }
0x1f1: {  	v7 =	vld [tilespmem:s17+$0xF020]  }
.Ltmp9:
0x1f2: {  	v2 =	vadd.f32 v3, v2;
	v0 =	vld [tilespmem:s17+$0x7030];
	[tilespmem:s6+$0x17000] =	vst v1;
	(pc) =	sbr.rel @p0 .LBB2_17-.Ltmp9, $4  }
0x1f3: {  	v4 =	vld [tilespmem:s17+$0xF030]  }
0x1f4: {  	[tilespmem:s17+$0x17000] =	vst v2;
	v3 =	vadd.f32 v5, v6;
	v1 =	vld [tilespmem:s17+$0x7040]  }
0x1f5: {  	v2 =	vld [tilespmem:s17+$0xF040]  }
0x1f6: {  	s9 =	sadd.s32 $0x200, s9;
	[tilespmem:s17+$0x17010] =	vst v3;
	v5 =	vadd.f32 v7, v8;
	v3 =	vld [tilespmem:s17+$0x7050]  }
0x1f7: {  	v6 =	vld [tilespmem:s17+$0xF050]  }
0x1f8: {  	v7 =	vld [tilespmem:s17+$0x7060]  }
0x1f9: {  	v8 =	vld [tilespmem:s17+$0xF060];
	_ =	sdelay $0x1  }
0x1fa: {  	v0 =	vadd.f32 v4, v0  }
0x1fb: {  	[tilespmem:s17+$0x17020] =	vst v5;
	v1 =	vadd.f32 v2, v1  }
.Ltmp10:
0x1fc: {  	[tilespmem:s17+$0x17030] =	vst v0;
	v62 =	vadd.f32 v6, v3;
	(pc) =	sbr.rel @p1 .LBB2_20-.Ltmp10, $4  }
0x1fd: {  	[tilespmem:s17+$0x17040] =	vst v1;
	v63 =	vadd.f32 v8, v7  }
0x1fe: {  	[tilespmem:s17+$0x17050] =	vst v62  }
0x1ff: {  	s4 =	sadd.s32 s15, s24;
	s6 =	simm.s32 $0x17000;
	[tilespmem:s17+$0x17060] =	vst v63  }
0x200: {  	[hbm4b:s4+s5] =	stream.strided.scatter [tilespmem:s6], [sflag:$0x10], $0x1000, s7, s5, $0x38;
	[tilespmem:$0x18000] =	vst v63  }
0x201: {  	s4 =	rddreg [dreg:$0x17]  }
.Ltmp11:
0x202: {  	s4 =	sadd.s32 s13, s4;
	(pc) =	sbr.rel .LBB2_2-.Ltmp11, $4  }
0x203: {  	s9 =	simm.s32 $0x7000;
	s6 =	sadd.s32 s1, s4  }
0x204: {  	[tilespmem:s9], [sflag:$0x8] =	stream.strided.gather [hbm4b:s6+s5], $0x1000, s7, s5, $0x38;
	[tilespmem:$0x18000] =	vst v63  }
0x205: {  	s25 =	simm.s32 $0xF000;
	s11 =	sadd.s32 $0x1, s11;
	s4 =	sadd.s32 s2, s4  }
0x206: {  	[tilespmem:s25], [sflag:$0x8] =	stream.strided.gather [hbm4b:s4+s5], $0x1000, s7, s5, $0x38;
	[tilespmem:$0x18000] =	vst v63  }
.LBB2_21:
0x207: {  	_ =	sfence.sel $0x180000  }
0x208: {  	[bflag:$0x0] =	sbarrier.arrive $0xFFFF  }
0x209: {  	_ =	strace $0x90000047  }
0x20a: {  	s0 =	stileid.u32;
	[bflag:$0x2] =	sbarrier.arrive $0xFFFF  }
0x20b: {  	p0 =	sne.s32 s0, $0x0;
	s0 =	rddreg [dreg:$0x3]  }
0x20c: {  	s0 =	sadd.s32 @!p0 $0x100000, s0  }
0x20d: {  	[sflag:s0] =	ssyncadd.tile.s32 @!p0 $0x1;
	_ =	shalt  }
.Lfunc_end2:
_tile_overlayer_lowered:
.L_overlay_start_2:
0x20e: {  	(tag) =	ssettag $0x2  }
0x20f: {  	s0 =	rddreg [dreg:$0x0];
	s2 =	stileid.u32  }
0x210: {  	s1 =	rddreg [dreg:$0x1];
	p0 =	sne.s32 s2, $0x0  }
0x211: {  	s3 =	rddreg [dreg:$0x2];
	[bflag:$0x3] =	sbarrier.arrive $0xFFFF;
	s2 =	simm.s32 @!p0 $0x1C11  }
0x212: {  	[timem:s3], [sflag:s2] =	dma.local @!p0 [hbm:s0], s1  }
0x213: {  	s0 =	simm.s32 @!p0 $0x11  }
0x214: {  	_ =	swait.ge @!p0 [sflag:s0], s1  }
0x215: {  	s1 =	ssub.s32 @!p0 $0x0, s1;
	[sflag:s0] =	ssyncset.done @!p0 $0x0  }
0x216: {  	[sflag:s0] =	ssyncadd.s32 @!p0 s1  }
0x217: {  	[bflag:$0x3] =	sbarrier.arrive $0xFFFF  }
0x218: {  	_ =	shalt  }

</sc_bundles>
